<compile_context>
chip_gen: v7x
topology: tpu7x:2x2x1
jax: 0.10.2.dev20260603
libtpu: 0.0.44.dev20260713+nightly
codegen_flags: <defaults>
</compile_context>

<pallas_src>
import jax
import jax.numpy as jnp
from jax import lax
from jax.experimental import pallas as pl
from jax.experimental.pallas import tpu as pltpu
from jax.experimental.pallas import tpu_sc as plsc

D_MODEL = 1024
D_FF = 1024
E = 64
T = 2048
BT = 128
MAXTILES = T // BT + E
SLOTS = MAXTILES * BT
_CH = 128
_NC = T // _CH
_NWORK = 32
_ROWS_W = T // _NWORK


def _fiota(shape, dim):
    return jax.lax.broadcasted_iota(jnp.int32, shape, dim).astype(jnp.float32)


def _prep_kernel(x_ref, wr_ref, te_ref, q_ref):
    x = x_ref[...]
    wr = wr_ref[...]
    logits = jax.lax.dot_general(
        x, wr, (((1,), (1,)), ((), ())),
        preferred_element_type=jnp.float32)
    m = jnp.max(logits, axis=1, keepdims=True)
    iota_e = _fiota((T, E), 1)
    e_tok = jnp.min(jnp.where(logits == m, iota_e, float(E)), axis=1,
                    keepdims=True)
    oh = jnp.where(iota_e == e_tok, 1.0, 0.0)
    counts = jnp.sum(oh, axis=0, keepdims=True)
    nt = jnp.floor((counts + (BT - 1)) * (1.0 / BT))
    ue = jnp.where(_fiota((E, E), 0) <= _fiota((E, E), 1), 1.0, 0.0)
    cumt = jax.lax.dot_general(
        nt, ue, (((1,), (0,)), ((), ())),
        preferred_element_type=jnp.float32)
    po = (cumt - nt) * BT

    lt = jnp.where(_fiota((_CH, _CH), 0) > _fiota((_CH, _CH), 1), 1.0, 0.0)

    base = jnp.zeros((1, E), jnp.float32)
    for c in range(_NC):
        ohc = oh[c * _CH:(c + 1) * _CH, :]
        within = jax.lax.dot_general(
            lt, ohc, (((1,), (0,)), ((), ())),
            preferred_element_type=jnp.float32)
        rank_c = jnp.sum((within + base) * ohc, axis=1)
        po_c = jnp.sum(ohc * po, axis=1)
        q_ref[0, c * _CH:(c + 1) * _CH] = (po_c + rank_c).astype(jnp.int32)
        base = base + jnp.sum(ohc, axis=0, keepdims=True)

    jt = _fiota((MAXTILES, E), 0)
    te = jnp.sum(jnp.where(cumt <= jt, 1.0, 0.0), axis=1)
    te_ref[0, :] = jnp.minimum(te, float(E - 1)).astype(jnp.int32)


def _gemm_kernel(te_ref, xs_ref, w1_ref, v1_ref, w2_ref, out_ref):
    xt = xs_ref[...]
    h1 = jax.lax.dot_general(
        xt, w1_ref[0], (((1,), (1,)), ((), ())),
        preferred_element_type=jnp.float32)
    hv = jax.lax.dot_general(
        xt, v1_ref[0], (((1,), (1,)), ((), ())),
        preferred_element_type=jnp.float32)
    h = h1 * jax.lax.logistic(h1) * hv
    out_ref[...] = jax.lax.dot_general(
        h, w2_ref[0], (((1,), (1,)), ((), ())),
        preferred_element_type=jnp.float32)


_HW = _ROWS_W // 2


def _sc_dispatch_body(x_ref, q_ref, xs_ref, idx_v, rows_v, sem, sem2):
    wid = lax.axis_index("s") * 2 + lax.axis_index("c")
    b = wid * _ROWS_W
    cp_i = pltpu.async_copy(q_ref.at[pl.ds(b, _ROWS_W)], idx_v, sem)
    cp0 = pltpu.async_copy(x_ref.at[pl.ds(b, _HW)], rows_v.at[pl.ds(0, _HW)],
                           sem2)
    cp_i.wait()
    cp0.wait()
    sc0 = pltpu.async_copy(rows_v.at[pl.ds(0, _HW)],
                           xs_ref.at[idx_v.at[pl.ds(0, _HW)]], sem)
    cp1 = pltpu.async_copy(x_ref.at[pl.ds(b + _HW, _HW)],
                           rows_v.at[pl.ds(_HW, _HW)], sem2)
    cp1.wait()
    sc1 = pltpu.async_copy(rows_v.at[pl.ds(_HW, _HW)],
                           xs_ref.at[idx_v.at[pl.ds(_HW, _HW)]], sem)
    sc0.wait()
    sc1.wait()


def _sc_unpermute_body(outs_ref, q_ref, out_ref, idx_v, rows_v, sem, sem2):
    wid = lax.axis_index("s") * 2 + lax.axis_index("c")
    b = wid * _ROWS_W
    pltpu.sync_copy(q_ref.at[pl.ds(b, _ROWS_W)], idx_v)
    pltpu.async_copy(outs_ref.at[idx_v], rows_v, sem).wait()
    pltpu.sync_copy(rows_v, out_ref.at[pl.ds(b, _ROWS_W)])


def _sc_mesh():
    return plsc.VectorSubcoreMesh(core_axis_name="c", subcore_axis_name="s")
_SC_SCRATCH = [
    pltpu.VMEM((_ROWS_W,), jnp.int32),
    pltpu.VMEM((_ROWS_W, D_MODEL), jnp.float32),
    pltpu.SemaphoreType.DMA,
    pltpu.SemaphoreType.DMA,
]


def kernel(hidden_states, w_router, w1, v1, w2):
    orig_shape = hidden_states.shape
    x = hidden_states.reshape(T, D_MODEL)

    te, q = pl.pallas_call(
        _prep_kernel,
        out_shape=(
            jax.ShapeDtypeStruct((1, MAXTILES), jnp.int32),
            jax.ShapeDtypeStruct((1, T), jnp.int32),
        ),
    )(x, w_router)
    qf = q.reshape(T)

    x_s = pl.kernel(
        _sc_dispatch_body,
        out_type=jax.ShapeDtypeStruct((SLOTS, D_MODEL), jnp.float32),
        mesh=_sc_mesh(),
        scratch_types=_SC_SCRATCH,
    )(x, qf)

    grid_spec = pltpu.PrefetchScalarGridSpec(
        num_scalar_prefetch=1,
        grid=(MAXTILES,),
        in_specs=[
            pl.BlockSpec((BT, D_MODEL), lambda j, te_s: (j, 0)),
            pl.BlockSpec((1, D_FF, D_MODEL), lambda j, te_s: (te_s[0, j], 0, 0)),
            pl.BlockSpec((1, D_FF, D_MODEL), lambda j, te_s: (te_s[0, j], 0, 0)),
            pl.BlockSpec((1, D_MODEL, D_FF), lambda j, te_s: (te_s[0, j], 0, 0)),
        ],
        out_specs=pl.BlockSpec((BT, D_MODEL), lambda j, te_s: (j, 0)),
    )
    out_s = pl.pallas_call(
        _gemm_kernel,
        grid_spec=grid_spec,
        out_shape=jax.ShapeDtypeStruct((SLOTS, D_MODEL), jnp.float32),
    )(te, x_s, w1, v1, w2)

    out = pl.kernel(
        _sc_unpermute_body,
        out_type=jax.ShapeDtypeStruct((T, D_MODEL), jnp.float32),
        mesh=_sc_mesh(),
        scratch_types=_SC_SCRATCH,
    )(out_s, qf)
    return out.reshape(orig_shape)

# --- scband reference (transcript-rebuilt; emitter-appended) ---
"""Pipeline reference for scband-dbrx-mo-e-26817775796593 (READ-ONLY COPY).

The authoritative reference and input builder live on the scoring server;
editing this copy changes nothing except your own understanding.
"""

import jax, jax.numpy as jnp
import numpy as np

D_MODEL = 1024
D_FF = 1024
E = 64
TOPK = 1
B = 1
S = 2048


def setup_inputs(seed: int = 0) -> dict:
    key = jax.random.key(seed)
    ks = jax.random.split(key, 5)
    hidden_states = jax.random.normal(ks[0], (B, S, D_MODEL), dtype=jnp.float32)
    w_router = jax.random.normal(ks[1], (E, D_MODEL), dtype=jnp.float32) * 0.02
    w1 = jax.random.normal(ks[2], (E, D_FF, D_MODEL), dtype=jnp.float32) * 0.02
    v1 = jax.random.normal(ks[3], (E, D_FF, D_MODEL), dtype=jnp.float32) * 0.02
    w2 = jax.random.normal(ks[4], (E, D_MODEL, D_FF), dtype=jnp.float32) * 0.02
    return {"hidden_states": hidden_states, "w_router": w_router, "w1": w1, "v1": v1, "w2": w2}


def reference(hidden_states, w_router, w1, v1, w2):
    orig_shape = hidden_states.shape
    x = hidden_states.reshape(-1, D_MODEL)
    T = x.shape[0]
    # Router: replicated linear -> logits per token per expert
    router_logits = x @ w_router.T
    probs = jax.nn.softmax(router_logits, axis=-1)
    topw, topi = jax.lax.top_k(probs, TOPK)
    # renormalize=True
    topw = topw / jnp.sum(topw, axis=-1, keepdims=True)
    # Fused MoE: SwiGLU experts, dense masked combine (fixed-shape scatter-add)
    num_experts = w_router.shape[0]
    combine_w = jnp.sum(
        topw[:, :, None] * jax.nn.one_hot(topi, num_experts, dtype=x.dtype), axis=1
    )  # (T, E): per-token weight for its routed expert, 0.0 elsewhere
    out = jnp.zeros_like(x)

    def body(out, params):
        w1e, v1e, w2e, we = params
        h = jax.nn.silu(x @ w1e.T) * (x @ v1e.T)
        oe = (h @ w2e.T) * we[:, None]
        return out + oe, None

    out, _ = jax.lax.scan(body, out, (w1, v1, w2, combine_w.T))
    return out.reshape(orig_shape)

if __name__ == "__main__":
    import jax
    _d = setup_inputs()
    print(jax.jit(kernel)(*tuple(_d.values())))

</pallas_src>

<mosaic_0001>
#map = affine_map<(d0, d1) -> (0, 0)>
#map1 = affine_map<(d0, d1) -> (0)>
module attributes {stable_mosaic.version = 14 : i64} {
  func.func @_sc_dispatch_body(%arg0: i32, %arg1: i32, %arg2: memref<2048x1024xf32, #tpu.memory_space<hbm>>, %arg3: memref<2048xi32, #tpu.memory_space<hbm>>, %arg4: memref<10240x1024xf32, #tpu.memory_space<hbm>>, %arg5: memref<64xi32, #tpu.memory_space<vmem>>, %arg6: memref<64x1024xf32, #tpu.memory_space<vmem>>, %arg7: memref<!tpu.dma_semaphore, #tpu.memory_space<semaphore_mem>>, %arg8: memref<!tpu.dma_semaphore, #tpu.memory_space<semaphore_mem>>) attributes {dimension_semantics = [#tpu.dimension_semantics<core_parallel>, #tpu.dimension_semantics<subcore_parallel>], iteration_bounds = array<i64: 2, 16>, scalar_prefetch = 0 : i64, scratch_operands = 4 : i64, tpu.core_type = #tpu.core_type<sc_vector_subcore>, window_params = [{transform_indices = #map}, {transform_indices = #map1}, {transform_indices = #map}]} {
    %mul3A = arith.constant 2 : i32
    %mul3A_0 = arith.muli %arg1, %mul3A : i32
    %add3A = arith.addi %mul3A_0, %arg0 : i32
    %mul3A_1 = arith.constant 64 : i32
    %mul3A_2 = arith.muli %add3A, %mul3A_1 : i32
    %dma_start3A = tpu.memref_slice %arg3[%mul3A_2] : memref<2048xi32, #tpu.memory_space<hbm>> -> memref<64xi32, #tpu.memory_space<hbm>>
    %dma_start3A_3 = tpu.memref_slice %arg3[%mul3A_2] : memref<2048xi32, #tpu.memory_space<hbm>> -> memref<64xi32, #tpu.memory_space<hbm>>
    tpu.enqueue_dma source(%dma_start3A_3 : memref<64xi32, #tpu.memory_space<hbm>>) target(%arg5 : memref<64xi32, #tpu.memory_space<vmem>>) target_semaphore(%arg7 : memref<!tpu.dma_semaphore, #tpu.memory_space<semaphore_mem>>)
    %dma_start3A_4 = arith.constant 0 : i32
    %dma_start3A_5 = arith.constant 0 : i32
    %dma_start3A_6 = tpu.memref_slice %arg6[%dma_start3A_4, %dma_start3A_5] : memref<64x1024xf32, #tpu.memory_space<vmem>> -> memref<32x1024xf32, #tpu.memory_space<vmem>>
    %dma_start3A_7 = arith.constant 0 : i32
    %dma_start3A_8 = tpu.memref_slice %arg2[%mul3A_2, %dma_start3A_7] : memref<2048x1024xf32, #tpu.memory_space<hbm>> -> memref<32x1024xf32, #tpu.memory_space<hbm>>
    %dma_start3A_9 = arith.constant 0 : i32
    %dma_start3A_10 = arith.constant 0 : i32
    %dma_start3A_11 = tpu.memref_slice %arg6[%dma_start3A_9, %dma_start3A_10] : memref<64x1024xf32, #tpu.memory_space<vmem>> -> memref<32x1024xf32, #tpu.memory_space<vmem>>
    %dma_start3A_12 = arith.constant 0 : i32
    %dma_start3A_13 = tpu.memref_slice %arg2[%mul3A_2, %dma_start3A_12] : memref<2048x1024xf32, #tpu.memory_space<hbm>> -> memref<32x1024xf32, #tpu.memory_space<hbm>>
    tpu.enqueue_dma source(%dma_start3A_13 : memref<32x1024xf32, #tpu.memory_space<hbm>>) target(%dma_start3A_11 : memref<32x1024xf32, #tpu.memory_space<vmem>>) target_semaphore(%arg8 : memref<!tpu.dma_semaphore, #tpu.memory_space<semaphore_mem>>)
    %dma_wait3A = tpu.memref_slice %arg3[%mul3A_2] : memref<2048xi32, #tpu.memory_space<hbm>> -> memref<64xi32, #tpu.memory_space<hbm>>
    %dma_wait3A_14 = tpu.memref_slice %arg3[%mul3A_2] : memref<2048xi32, #tpu.memory_space<hbm>> -> memref<64xi32, #tpu.memory_space<hbm>>
    tpu.wait_dma2 semaphore(%arg7 : memref<!tpu.dma_semaphore, #tpu.memory_space<semaphore_mem>>) src(%dma_wait3A_14 : memref<64xi32, #tpu.memory_space<hbm>>) dst(%arg5 : memref<64xi32, #tpu.memory_space<vmem>>)
    %dma_wait3A_15 = arith.constant 0 : i32
    %dma_wait3A_16 = arith.constant 0 : i32
    %dma_wait3A_17 = tpu.memref_slice %arg6[%dma_wait3A_15, %dma_wait3A_16] : memref<64x1024xf32, #tpu.memory_space<vmem>> -> memref<32x1024xf32, #tpu.memory_space<vmem>>
    %dma_wait3A_18 = arith.constant 0 : i32
    %dma_wait3A_19 = tpu.memref_slice %arg2[%mul3A_2, %dma_wait3A_18] : memref<2048x1024xf32, #tpu.memory_space<hbm>> -> memref<32x1024xf32, #tpu.memory_space<hbm>>
    %dma_wait3A_20 = arith.constant 0 : i32
    %dma_wait3A_21 = arith.constant 0 : i32
    %dma_wait3A_22 = tpu.memref_slice %arg6[%dma_wait3A_20, %dma_wait3A_21] : memref<64x1024xf32, #tpu.memory_space<vmem>> -> memref<32x1024xf32, #tpu.memory_space<vmem>>
    %dma_wait3A_23 = arith.constant 0 : i32
    %dma_wait3A_24 = tpu.memref_slice %arg2[%mul3A_2, %dma_wait3A_23] : memref<2048x1024xf32, #tpu.memory_space<hbm>> -> memref<32x1024xf32, #tpu.memory_space<hbm>>
    tpu.wait_dma2 semaphore(%arg8 : memref<!tpu.dma_semaphore, #tpu.memory_space<semaphore_mem>>) src(%dma_wait3A_24 : memref<32x1024xf32, #tpu.memory_space<hbm>>) dst(%dma_wait3A_22 : memref<32x1024xf32, #tpu.memory_space<vmem>>)
    %dma_start3A_25 = arith.constant 0 : i32
    %dma_start3A_26 = arith.constant 0 : i32
    %dma_start3A_27 = tpu.memref_slice %arg6[%dma_start3A_25, %dma_start3A_26] : memref<64x1024xf32, #tpu.memory_space<vmem>> -> memref<32x1024xf32, #tpu.memory_space<vmem>>
    %dma_start3A_28 = arith.constant 0 : i32
    %dma_start3A_29 = tpu.memref_slice %arg5[%dma_start3A_28] : memref<64xi32, #tpu.memory_space<vmem>> -> memref<32xi32, #tpu.memory_space<vmem>>
    %dma_start3A_30 = arith.constant 0 : i32
    %dma_start3A_31 = arith.constant 0 : i32
    %dma_start3A_32 = tpu.memref_slice %arg4[%dma_start3A_30, %dma_start3A_31] : memref<10240x1024xf32, #tpu.memory_space<hbm>> -> memref<10240x1024xf32, #tpu.memory_space<hbm>>
    tpu.enqueue_indirect_dma source(%dma_start3A_27 : memref<32x1024xf32, #tpu.memory_space<vmem>>) target(%dma_start3A_32 : memref<10240x1024xf32, #tpu.memory_space<hbm>>) offsets(%dma_start3A_29 : memref<32xi32, #tpu.memory_space<vmem>>) semaphore(%arg7 : memref<!tpu.dma_semaphore, #tpu.memory_space<semaphore_mem>>)
    %add3A_33 = arith.constant 32 : i32
    %add3A_34 = arith.addi %mul3A_2, %add3A_33 : i32
    %dma_start3A_35 = arith.constant 32 : i32
    %dma_start3A_36 = arith.constant 0 : i32
    %dma_start3A_37 = tpu.memref_slice %arg6[%dma_start3A_35, %dma_start3A_36] : memref<64x1024xf32, #tpu.memory_space<vmem>> -> memref<32x1024xf32, #tpu.memory_space<vmem>>
    %dma_start3A_38 = arith.constant 0 : i32
    %dma_start3A_39 = tpu.memref_slice %arg2[%add3A_34, %dma_start3A_38] : memref<2048x1024xf32, #tpu.memory_space<hbm>> -> memref<32x1024xf32, #tpu.memory_space<hbm>>
    %dma_start3A_40 = arith.constant 32 : i32
    %dma_start3A_41 = arith.constant 0 : i32
    %dma_start3A_42 = tpu.memref_slice %arg6[%dma_start3A_40, %dma_start3A_41] : memref<64x1024xf32, #tpu.memory_space<vmem>> -> memref<32x1024xf32, #tpu.memory_space<vmem>>
    %dma_start3A_43 = arith.constant 0 : i32
    %dma_start3A_44 = tpu.memref_slice %arg2[%add3A_34, %dma_start3A_43] : memref<2048x1024xf32, #tpu.memory_space<hbm>> -> memref<32x1024xf32, #tpu.memory_space<hbm>>
    tpu.enqueue_dma source(%dma_start3A_44 : memref<32x1024xf32, #tpu.memory_space<hbm>>) target(%dma_start3A_42 : memref<32x1024xf32, #tpu.memory_space<vmem>>) target_semaphore(%arg8 : memref<!tpu.dma_semaphore, #tpu.memory_space<semaphore_mem>>)
    %dma_wait3A_45 = arith.constant 32 : i32
    %dma_wait3A_46 = arith.constant 0 : i32
    %dma_wait3A_47 = tpu.memref_slice %arg6[%dma_wait3A_45, %dma_wait3A_46] : memref<64x1024xf32, #tpu.memory_space<vmem>> -> memref<32x1024xf32, #tpu.memory_space<vmem>>
    %dma_wait3A_48 = arith.constant 0 : i32
    %dma_wait3A_49 = tpu.memref_slice %arg2[%add3A_34, %dma_wait3A_48] : memref<2048x1024xf32, #tpu.memory_space<hbm>> -> memref<32x1024xf32, #tpu.memory_space<hbm>>
    %dma_wait3A_50 = arith.constant 32 : i32
    %dma_wait3A_51 = arith.constant 0 : i32
    %dma_wait3A_52 = tpu.memref_slice %arg6[%dma_wait3A_50, %dma_wait3A_51] : memref<64x1024xf32, #tpu.memory_space<vmem>> -> memref<32x1024xf32, #tpu.memory_space<vmem>>
    %dma_wait3A_53 = arith.constant 0 : i32
    %dma_wait3A_54 = tpu.memref_slice %arg2[%add3A_34, %dma_wait3A_53] : memref<2048x1024xf32, #tpu.memory_space<hbm>> -> memref<32x1024xf32, #tpu.memory_space<hbm>>
    tpu.wait_dma2 semaphore(%arg8 : memref<!tpu.dma_semaphore, #tpu.memory_space<semaphore_mem>>) src(%dma_wait3A_54 : memref<32x1024xf32, #tpu.memory_space<hbm>>) dst(%dma_wait3A_52 : memref<32x1024xf32, #tpu.memory_space<vmem>>)
    %dma_start3A_55 = arith.constant 32 : i32
    %dma_start3A_56 = arith.constant 0 : i32
    %dma_start3A_57 = tpu.memref_slice %arg6[%dma_start3A_55, %dma_start3A_56] : memref<64x1024xf32, #tpu.memory_space<vmem>> -> memref<32x1024xf32, #tpu.memory_space<vmem>>
    %dma_start3A_58 = arith.constant 32 : i32
    %dma_start3A_59 = tpu.memref_slice %arg5[%dma_start3A_58] : memref<64xi32, #tpu.memory_space<vmem>> -> memref<32xi32, #tpu.memory_space<vmem>>
    %dma_start3A_60 = arith.constant 0 : i32
    %dma_start3A_61 = arith.constant 0 : i32
    %dma_start3A_62 = tpu.memref_slice %arg4[%dma_start3A_60, %dma_start3A_61] : memref<10240x1024xf32, #tpu.memory_space<hbm>> -> memref<10240x1024xf32, #tpu.memory_space<hbm>>
    tpu.enqueue_indirect_dma source(%dma_start3A_57 : memref<32x1024xf32, #tpu.memory_space<vmem>>) target(%dma_start3A_62 : memref<10240x1024xf32, #tpu.memory_space<hbm>>) offsets(%dma_start3A_59 : memref<32xi32, #tpu.memory_space<vmem>>) semaphore(%arg7 : memref<!tpu.dma_semaphore, #tpu.memory_space<semaphore_mem>>)
    %dma_wait3A_63 = arith.constant 0 : i32
    %dma_wait3A_64 = arith.constant 0 : i32
    %dma_wait3A_65 = tpu.memref_slice %arg6[%dma_wait3A_63, %dma_wait3A_64] : memref<64x1024xf32, #tpu.memory_space<vmem>> -> memref<32x1024xf32, #tpu.memory_space<vmem>>
    %dma_wait3A_66 = arith.constant 0 : i32
    %dma_wait3A_67 = tpu.memref_slice %arg5[%dma_wait3A_66] : memref<64xi32, #tpu.memory_space<vmem>> -> memref<32xi32, #tpu.memory_space<vmem>>
    %dma_wait3A_68 = arith.constant 0 : i32
    %dma_wait3A_69 = arith.constant 0 : i32
    %dma_wait3A_70 = tpu.memref_slice %arg4[%dma_wait3A_68, %dma_wait3A_69] : memref<10240x1024xf32, #tpu.memory_space<hbm>> -> memref<10240x1024xf32, #tpu.memory_space<hbm>>
    tpu.wait_indirect_dma semaphore(%arg7 : memref<!tpu.dma_semaphore, #tpu.memory_space<semaphore_mem>>) src(%dma_wait3A_65 : memref<32x1024xf32, #tpu.memory_space<vmem>>) dst(%dma_wait3A_70 : memref<10240x1024xf32, #tpu.memory_space<hbm>>)
    %dma_wait3A_71 = arith.constant 32 : i32
    %dma_wait3A_72 = arith.constant 0 : i32
    %dma_wait3A_73 = tpu.memref_slice %arg6[%dma_wait3A_71, %dma_wait3A_72] : memref<64x1024xf32, #tpu.memory_space<vmem>> -> memref<32x1024xf32, #tpu.memory_space<vmem>>
    %dma_wait3A_74 = arith.constant 32 : i32
    %dma_wait3A_75 = tpu.memref_slice %arg5[%dma_wait3A_74] : memref<64xi32, #tpu.memory_space<vmem>> -> memref<32xi32, #tpu.memory_space<vmem>>
    %dma_wait3A_76 = arith.constant 0 : i32
    %dma_wait3A_77 = arith.constant 0 : i32
    %dma_wait3A_78 = tpu.memref_slice %arg4[%dma_wait3A_76, %dma_wait3A_77] : memref<10240x1024xf32, #tpu.memory_space<hbm>> -> memref<10240x1024xf32, #tpu.memory_space<hbm>>
    tpu.wait_indirect_dma semaphore(%arg7 : memref<!tpu.dma_semaphore, #tpu.memory_space<semaphore_mem>>) src(%dma_wait3A_73 : memref<32x1024xf32, #tpu.memory_space<vmem>>) dst(%dma_wait3A_78 : memref<10240x1024xf32, #tpu.memory_space<hbm>>)
    return
  }
}

#map = affine_map<(d0, d1) -> (0, 0)>
#map1 = affine_map<(d0, d1) -> (0)>
module attributes {stable_mosaic.version = 14 : i64} {
  func.func @_sc_unpermute_body(%arg0: i32, %arg1: i32, %arg2: memref<10240x1024xf32, #tpu.memory_space<hbm>>, %arg3: memref<2048xi32, #tpu.memory_space<hbm>>, %arg4: memref<2048x1024xf32, #tpu.memory_space<hbm>>, %arg5: memref<64xi32, #tpu.memory_space<vmem>>, %arg6: memref<64x1024xf32, #tpu.memory_space<vmem>>, %arg7: memref<!tpu.dma_semaphore, #tpu.memory_space<semaphore_mem>>, %arg8: memref<!tpu.dma_semaphore, #tpu.memory_space<semaphore_mem>>) attributes {dimension_semantics = [#tpu.dimension_semantics<core_parallel>, #tpu.dimension_semantics<subcore_parallel>], iteration_bounds = array<i64: 2, 16>, scalar_prefetch = 0 : i64, scratch_operands = 4 : i64, tpu.core_type = #tpu.core_type<sc_vector_subcore>, window_params = [{transform_indices = #map}, {transform_indices = #map1}, {transform_indices = #map}]} {
    %mul3A = arith.constant 2 : i32
    %mul3A_0 = arith.muli %arg1, %mul3A : i32
    %add3A = arith.addi %mul3A_0, %arg0 : i32
    %mul3A_1 = arith.constant 64 : i32
    %mul3A_2 = arith.muli %add3A, %mul3A_1 : i32
    "tpu.region"() ({
      %run_scoped3A = tpu.sem_alloc : memref<!tpu.dma_semaphore, #tpu.memory_space<semaphore_mem>>
      %dma_start3A_7 = tpu.memref_slice %arg3[%mul3A_2] : memref<2048xi32, #tpu.memory_space<hbm>> -> memref<64xi32, #tpu.memory_space<hbm>>
      %dma_start3A_8 = tpu.memref_slice %arg3[%mul3A_2] : memref<2048xi32, #tpu.memory_space<hbm>> -> memref<64xi32, #tpu.memory_space<hbm>>
      tpu.enqueue_dma source(%dma_start3A_8 : memref<64xi32, #tpu.memory_space<hbm>>) target(%arg5 : memref<64xi32, #tpu.memory_space<vmem>>) target_semaphore(%run_scoped3A : memref<!tpu.dma_semaphore, #tpu.memory_space<semaphore_mem>>)
      %dma_wait3A_9 = tpu.memref_slice %arg3[%mul3A_2] : memref<2048xi32, #tpu.memory_space<hbm>> -> memref<64xi32, #tpu.memory_space<hbm>>
      %dma_wait3A_10 = tpu.memref_slice %arg3[%mul3A_2] : memref<2048xi32, #tpu.memory_space<hbm>> -> memref<64xi32, #tpu.memory_space<hbm>>
      tpu.wait_dma2 semaphore(%run_scoped3A : memref<!tpu.dma_semaphore, #tpu.memory_space<semaphore_mem>>) src(%dma_wait3A_10 : memref<64xi32, #tpu.memory_space<hbm>>) dst(%arg5 : memref<64xi32, #tpu.memory_space<vmem>>)
      tpu.yield
    }) : () -> ()
    %dma_start3A = arith.constant 0 : i32
    %dma_start3A_3 = arith.constant 0 : i32
    %dma_start3A_4 = tpu.memref_slice %arg2[%dma_start3A, %dma_start3A_3] : memref<10240x1024xf32, #tpu.memory_space<hbm>> -> memref<10240x1024xf32, #tpu.memory_space<hbm>>
    tpu.enqueue_indirect_dma source(%dma_start3A_4 : memref<10240x1024xf32, #tpu.memory_space<hbm>>) target(%arg6 : memref<64x1024xf32, #tpu.memory_space<vmem>>) offsets(%arg5 : memref<64xi32, #tpu.memory_space<vmem>>) semaphore(%arg7 : memref<!tpu.dma_semaphore, #tpu.memory_space<semaphore_mem>>)
    %dma_wait3A = arith.constant 0 : i32
    %dma_wait3A_5 = arith.constant 0 : i32
    %dma_wait3A_6 = tpu.memref_slice %arg2[%dma_wait3A, %dma_wait3A_5] : memref<10240x1024xf32, #tpu.memory_space<hbm>> -> memref<10240x1024xf32, #tpu.memory_space<hbm>>
    tpu.wait_indirect_dma semaphore(%arg7 : memref<!tpu.dma_semaphore, #tpu.memory_space<semaphore_mem>>) src(%dma_wait3A_6 : memref<10240x1024xf32, #tpu.memory_space<hbm>>) dst(%arg6 : memref<64x1024xf32, #tpu.memory_space<vmem>>)
    "tpu.region"() ({
      %run_scoped3A = tpu.sem_alloc : memref<!tpu.dma_semaphore, #tpu.memory_space<semaphore_mem>>
      %dma_start3A_7 = arith.constant 0 : i32
      %dma_start3A_8 = tpu.memref_slice %arg4[%mul3A_2, %dma_start3A_7] : memref<2048x1024xf32, #tpu.memory_space<hbm>> -> memref<64x1024xf32, #tpu.memory_space<hbm>>
      %dma_start3A_9 = arith.constant 0 : i32
      %dma_start3A_10 = tpu.memref_slice %arg4[%mul3A_2, %dma_start3A_9] : memref<2048x1024xf32, #tpu.memory_space<hbm>> -> memref<64x1024xf32, #tpu.memory_space<hbm>>
      tpu.enqueue_dma source(%arg6 : memref<64x1024xf32, #tpu.memory_space<vmem>>) target(%dma_start3A_10 : memref<64x1024xf32, #tpu.memory_space<hbm>>) target_semaphore(%run_scoped3A : memref<!tpu.dma_semaphore, #tpu.memory_space<semaphore_mem>>)
      %dma_wait3A_11 = arith.constant 0 : i32
      %dma_wait3A_12 = tpu.memref_slice %arg4[%mul3A_2, %dma_wait3A_11] : memref<2048x1024xf32, #tpu.memory_space<hbm>> -> memref<64x1024xf32, #tpu.memory_space<hbm>>
      %dma_wait3A_13 = arith.constant 0 : i32
      %dma_wait3A_14 = tpu.memref_slice %arg4[%mul3A_2, %dma_wait3A_13] : memref<2048x1024xf32, #tpu.memory_space<hbm>> -> memref<64x1024xf32, #tpu.memory_space<hbm>>
      tpu.wait_dma2 semaphore(%run_scoped3A : memref<!tpu.dma_semaphore, #tpu.memory_space<semaphore_mem>>) src(%arg6 : memref<64x1024xf32, #tpu.memory_space<vmem>>) dst(%dma_wait3A_14 : memref<64x1024xf32, #tpu.memory_space<hbm>>)
      tpu.yield
    }) : () -> ()
    return
  }
}

module attributes {stable_mosaic.version = 14 : i64} {
  func.func @_gemm_kernel(%arg0: i32, %arg1: memref<1x80xi32, #tpu.memory_space<smem>>, %arg2: memref<128x1024xf32, #tpu.memory_space<vmem>>, %arg3: memref<1x1024x1024xf32, #tpu.memory_space<vmem>>, %arg4: memref<1x1024x1024xf32, #tpu.memory_space<vmem>>, %arg5: memref<1x1024x1024xf32, #tpu.memory_space<vmem>>, %arg6: memref<128x1024xf32, #tpu.memory_space<vmem>>) attributes {dimension_semantics = [#tpu.dimension_semantics<arbitrary>], iteration_bounds = array<i64: 80>, scalar_prefetch = 1 : i64, scratch_operands = 0 : i64, tpu.core_type = #tpu.core_type<tc>, window_params = [{transform_indices = @transform_0, window_bounds = array<i64: 128, 1024>}, {transform_indices = @transform_1, window_bounds = array<i64: 1, 1024, 1024>}, {transform_indices = @transform_2, window_bounds = array<i64: 1, 1024, 1024>}, {transform_indices = @transform_3, window_bounds = array<i64: 1, 1024, 1024>}, {transform_indices = @transform_4, window_bounds = array<i64: 128, 1024>}]} {
    %get3A = arith.constant 0 : index
    %get3A_0 = arith.constant 0 : index
    %get3A_1 = vector.load %arg2[%get3A, %get3A_0] : memref<128x1024xf32, #tpu.memory_space<vmem>>, vector<128x1024xf32>
    %get3A_2 = arith.constant 0 : index
    %get3A_3 = arith.constant 0 : index
    %get3A_4 = arith.constant 0 : index
    %get3A_5 = vector.load %arg3[%get3A_2, %get3A_3, %get3A_4] : memref<1x1024x1024xf32, #tpu.memory_space<vmem>>, vector<1x1024x1024xf32>
    %get3A_6 = vector.shape_cast %get3A_5 : vector<1x1024x1024xf32> to vector<1024x1024xf32>
    %dot_general3A = arith.constant dense<0.000000e+00> : vector<128x1024xf32>
    %dot_general3A_7 = tpu.matmul %get3A_1, %get3A_6, %dot_general3A {dimension_numbers = #tpu.dot_dimension_numbers<[1], [1], [0], [0], [0, 0, 1, 0], [], []>, transpose_lhs_hint = false} : vector<128x1024xf32>, vector<1024x1024xf32>, vector<128x1024xf32> -> vector<128x1024xf32>
    %get3A_8 = arith.constant 0 : index
    %get3A_9 = arith.constant 0 : index
    %get3A_10 = arith.constant 0 : index
    %get3A_11 = vector.load %arg4[%get3A_8, %get3A_9, %get3A_10] : memref<1x1024x1024xf32, #tpu.memory_space<vmem>>, vector<1x1024x1024xf32>
    %get3A_12 = vector.shape_cast %get3A_11 : vector<1x1024x1024xf32> to vector<1024x1024xf32>
    %dot_general3A_13 = arith.constant dense<0.000000e+00> : vector<128x1024xf32>
    %dot_general3A_14 = tpu.matmul %get3A_1, %get3A_12, %dot_general3A_13 {dimension_numbers = #tpu.dot_dimension_numbers<[1], [1], [0], [0], [0, 0, 1, 0], [], []>, transpose_lhs_hint = false} : vector<128x1024xf32>, vector<1024x1024xf32>, vector<128x1024xf32> -> vector<128x1024xf32>
    %logistic3A = arith.negf %dot_general3A_7 : vector<128x1024xf32>
    %logistic3A_15 = math.exp %logistic3A : vector<128x1024xf32>
    %logistic3A_16 = arith.constant 1.000000e+00 : f32
    %logistic3A_17 = vector.broadcast %logistic3A_16 : f32 to vector<128x1024xf32>
    %logistic3A_18 = arith.addf %logistic3A_17, %logistic3A_15 : vector<128x1024xf32>
    %logistic3A_19 = arith.divf %logistic3A_17, %logistic3A_18 : vector<128x1024xf32>
    %mul3A = arith.mulf %dot_general3A_7, %logistic3A_19 : vector<128x1024xf32>
    %mul3A_20 = arith.mulf %mul3A, %dot_general3A_14 : vector<128x1024xf32>
    %get3A_21 = arith.constant 0 : index
    %get3A_22 = arith.constant 0 : index
    %get3A_23 = arith.constant 0 : index
    %get3A_24 = vector.load %arg5[%get3A_21, %get3A_22, %get3A_23] : memref<1x1024x1024xf32, #tpu.memory_space<vmem>>, vector<1x1024x1024xf32>
    %get3A_25 = vector.shape_cast %get3A_24 : vector<1x1024x1024xf32> to vector<1024x1024xf32>
    %dot_general3A_26 = arith.constant dense<0.000000e+00> : vector<128x1024xf32>
    %dot_general3A_27 = tpu.matmul %mul3A_20, %get3A_25, %dot_general3A_26 {dimension_numbers = #tpu.dot_dimension_numbers<[1], [1], [0], [0], [0, 0, 1, 0], [], []>, transpose_lhs_hint = false} : vector<128x1024xf32>, vector<1024x1024xf32>, vector<128x1024xf32> -> vector<128x1024xf32>
    %swap3A = arith.constant 0 : index
    %swap3A_28 = arith.constant 0 : index
    %swap3A_29 = vector.load %arg6[%swap3A, %swap3A_28] : memref<128x1024xf32, #tpu.memory_space<vmem>>, vector<128x1024xf32>
    tpu.vector_store %arg6[%swap3A, %swap3A_28], %dot_general3A_27 {strides = array<i32>} : memref<128x1024xf32, #tpu.memory_space<vmem>>, vector<128x1024xf32>,
    return
  }
  func.func @transform_0(%arg0: i32, %arg1: memref<1x80xi32, #tpu.memory_space<smem>>) -> (i32, i32) {
    %c0_i32 = arith.constant 0 : i32
    %c0_i32_0 = arith.constant 0 : i32
    return %arg0, %c0_i32 : i32, i32
  }
  func.func @transform_1(%arg0: i32, %arg1: memref<1x80xi32, #tpu.memory_space<smem>>) -> (i32, i32, i32) {
    %get3A = arith.constant 0 : index
    %get3A_0 = arith.index_cast %arg0 : i32 to index
    %get3A_1 = memref.load %arg1[%get3A, %get3A_0] : memref<1x80xi32, #tpu.memory_space<smem>>
    %c0_i32 = arith.constant 0 : i32
    %c0_i32_2 = arith.constant 0 : i32
    %c0_i32_3 = arith.constant 0 : i32
    return %get3A_1, %c0_i32, %c0_i32_2 : i32, i32, i32
  }
  func.func @transform_2(%arg0: i32, %arg1: memref<1x80xi32, #tpu.memory_space<smem>>) -> (i32, i32, i32) {
    %get3A = arith.constant 0 : index
    %get3A_0 = arith.index_cast %arg0 : i32 to index
    %get3A_1 = memref.load %arg1[%get3A, %get3A_0] : memref<1x80xi32, #tpu.memory_space<smem>>
    %c0_i32 = arith.constant 0 : i32
    %c0_i32_2 = arith.constant 0 : i32
    %c0_i32_3 = arith.constant 0 : i32
    return %get3A_1, %c0_i32, %c0_i32_2 : i32, i32, i32
  }
  func.func @transform_3(%arg0: i32, %arg1: memref<1x80xi32, #tpu.memory_space<smem>>) -> (i32, i32, i32) {
    %get3A = arith.constant 0 : index
    %get3A_0 = arith.index_cast %arg0 : i32 to index
    %get3A_1 = memref.load %arg1[%get3A, %get3A_0] : memref<1x80xi32, #tpu.memory_space<smem>>
    %c0_i32 = arith.constant 0 : i32
    %c0_i32_2 = arith.constant 0 : i32
    %c0_i32_3 = arith.constant 0 : i32
    return %get3A_1, %c0_i32, %c0_i32_2 : i32, i32, i32
  }
  func.func @transform_4(%arg0: i32, %arg1: memref<1x80xi32, #tpu.memory_space<smem>>) -> (i32, i32) {
    %c0_i32 = arith.constant 0 : i32
    %c0_i32_0 = arith.constant 0 : i32
    return %arg0, %c0_i32 : i32, i32
  }
}

module attributes {stable_mosaic.version = 14 : i64} {
  func.func @_prep_kernel(%arg0: memref<2048x1024xf32, #tpu.memory_space<vmem>>, %arg1: memref<64x1024xf32, #tpu.memory_space<vmem>>, %arg2: memref<1x80xi32, #tpu.memory_space<vmem>>, %arg3: memref<1x2048xi32, #tpu.memory_space<vmem>>) attributes {dimension_semantics = [], scalar_prefetch = 0 : i64, scratch_operands = 0 : i64, tpu.core_type = #tpu.core_type<tc>} {
    %get3A = arith.constant 0 : index
    %get3A_0 = arith.constant 0 : index
    %get3A_1 = vector.load %arg0[%get3A, %get3A_0] : memref<2048x1024xf32, #tpu.memory_space<vmem>>, vector<2048x1024xf32>
    %get3A_2 = arith.constant 0 : index
    %get3A_3 = arith.constant 0 : index
    %get3A_4 = vector.load %arg1[%get3A_2, %get3A_3] : memref<64x1024xf32, #tpu.memory_space<vmem>>, vector<64x1024xf32>
    %dot_general3A = arith.constant dense<0.000000e+00> : vector<2048x64xf32>
    %dot_general3A_5 = tpu.matmul %get3A_1, %get3A_4, %dot_general3A {dimension_numbers = #tpu.dot_dimension_numbers<[1], [1], [0], [0], [0, 0, 1, 0], [], []>, transpose_lhs_hint = false} : vector<2048x1024xf32>, vector<64x1024xf32>, vector<2048x64xf32> -> vector<2048x64xf32>
    %reduce_max3A = arith.constant dense<0xFF800000> : vector<2048xf32>
    %reduce_max3A_6 = vector.multi_reduction <maximumf>, %dot_general3A_5, %reduce_max3A [1] : vector<2048x64xf32> to vector<2048xf32>
    %broadcast_in_dim3A = vector.shape_cast %reduce_max3A_6 : vector<2048xf32> to vector<2048x1xf32>
    %iota3A = tpu.iota {dimensions = array<i32: 1>} : vector<2048x64xi32>
    %convert_element_type3A = arith.sitofp %iota3A : vector<2048x64xi32> to vector<2048x64xf32>
    %eq3A = vector.broadcast %broadcast_in_dim3A : vector<2048x1xf32> to vector<2048x64xf32>
    %eq3A_7 = arith.cmpf oeq, %dot_general3A_5, %eq3A : vector<2048x64xf32>
    %jit3A = arith.constant 6.400000e+01 : f32
    %broadcast_in_dim3A_8 = vector.broadcast %jit3A : f32 to vector<2048x64xf32>
    %select_n3A = arith.select %eq3A_7, %convert_element_type3A, %broadcast_in_dim3A_8 : vector<2048x64xi1>, vector<2048x64xf32>
    %reduce_min3A = arith.constant dense<0x7F800000> : vector<2048xf32>
    %reduce_min3A_9 = vector.multi_reduction <minimumf>, %select_n3A, %reduce_min3A [1] : vector<2048x64xf32> to vector<2048xf32>
    %broadcast_in_dim3A_10 = vector.shape_cast %reduce_min3A_9 : vector<2048xf32> to vector<2048x1xf32>
    %eq3A_11 = vector.broadcast %broadcast_in_dim3A_10 : vector<2048x1xf32> to vector<2048x64xf32>
    %eq3A_12 = arith.cmpf oeq, %convert_element_type3A, %eq3A_11 : vector<2048x64xf32>
    %jit3A_13 = arith.constant 1.000000e+00 : f32
    %jit3A_14 = arith.constant 0.000000e+00 : f32
    %broadcast_in_dim3A_15 = vector.broadcast %jit3A_13 : f32 to vector<2048x64xf32>
    %broadcast_in_dim3A_16 = vector.broadcast %jit3A_14 : f32 to vector<2048x64xf32>
    %select_n3A_17 = arith.select %eq3A_12, %broadcast_in_dim3A_15, %broadcast_in_dim3A_16 : vector<2048x64xi1>, vector<2048x64xf32>
    %reduce_sum3A = arith.constant dense<0.000000e+00> : vector<64xf32>
    %reduce_sum3A_18 = vector.multi_reduction <add>, %select_n3A_17, %reduce_sum3A [0] : vector<2048x64xf32> to vector<64xf32>
    %broadcast_in_dim3A_19 = vector.shape_cast %reduce_sum3A_18 : vector<64xf32> to vector<1x64xf32>
    %add3A = arith.constant 1.270000e+02 : f32
    %add3A_20 = vector.broadcast %add3A : f32 to vector<1x64xf32>
    %add3A_21 = arith.addf %broadcast_in_dim3A_19, %add3A_20 : vector<1x64xf32>
    %mul3A = arith.constant 7.812500e-03 : f32
    %mul3A_22 = vector.broadcast %mul3A : f32 to vector<1x64xf32>
    %mul3A_23 = arith.mulf %add3A_21, %mul3A_22 : vector<1x64xf32>
    %floor3A = math.floor %mul3A_23 : vector<1x64xf32>
    %iota3A_24 = tpu.iota {dimensions = array<i32: 0>} : vector<64x64xi32>
    %convert_element_type3A_25 = arith.sitofp %iota3A_24 : vector<64x64xi32> to vector<64x64xf32>
    %iota3A_26 = tpu.iota {dimensions = array<i32: 1>} : vector<64x64xi32>
    %convert_element_type3A_27 = arith.sitofp %iota3A_26 : vector<64x64xi32> to vector<64x64xf32>
    %le3A = arith.cmpf ole, %convert_element_type3A_25, %convert_element_type3A_27 : vector<64x64xf32>
    %jit3A_28 = arith.constant 1.000000e+00 : f32
    %jit3A_29 = arith.constant 0.000000e+00 : f32
    %broadcast_in_dim3A_30 = vector.broadcast %jit3A_28 : f32 to vector<64x64xf32>
    %broadcast_in_dim3A_31 = vector.broadcast %jit3A_29 : f32 to vector<64x64xf32>
    %select_n3A_32 = arith.select %le3A, %broadcast_in_dim3A_30, %broadcast_in_dim3A_31 : vector<64x64xi1>, vector<64x64xf32>
    %dot_general3A_33 = arith.constant dense<0.000000e+00> : vector<1x64xf32>
    %dot_general3A_34 = tpu.matmul %floor3A, %select_n3A_32, %dot_general3A_33 {dimension_numbers = #tpu.dot_dimension_numbers<[1], [0], [0], [1], [0, 0, 1, 1], [], []>, transpose_lhs_hint = false} : vector<1x64xf32>, vector<64x64xf32>, vector<1x64xf32> -> vector<1x64xf32>
    %sub3A = arith.subf %dot_general3A_34, %floor3A : vector<1x64xf32>
    %mul3A_35 = arith.constant 1.280000e+02 : f32
    %mul3A_36 = vector.broadcast %mul3A_35 : f32 to vector<1x64xf32>
    %mul3A_37 = arith.mulf %sub3A, %mul3A_36 : vector<1x64xf32>
    %iota3A_38 = tpu.iota {dimensions = array<i32: 0>} : vector<128x128xi32>
    %convert_element_type3A_39 = arith.sitofp %iota3A_38 : vector<128x128xi32> to vector<128x128xf32>
    %iota3A_40 = tpu.iota {dimensions = array<i32: 1>} : vector<128x128xi32>
    %convert_element_type3A_41 = arith.sitofp %iota3A_40 : vector<128x128xi32> to vector<128x128xf32>
    %gt3A = arith.cmpf ogt, %convert_element_type3A_39, %convert_element_type3A_41 : vector<128x128xf32>
    %jit3A_42 = arith.constant 1.000000e+00 : f32
    %jit3A_43 = arith.constant 0.000000e+00 : f32
    %broadcast_in_dim3A_44 = vector.broadcast %jit3A_42 : f32 to vector<128x128xf32>
    %broadcast_in_dim3A_45 = vector.broadcast %jit3A_43 : f32 to vector<128x128xf32>
    %select_n3A_46 = arith.select %gt3A, %broadcast_in_dim3A_44, %broadcast_in_dim3A_45 : vector<128x128xi1>, vector<128x128xf32>
    %broadcast_in_dim3A_47 = arith.constant 0.000000e+00 : f32
    %broadcast_in_dim3A_48 = vector.broadcast %broadcast_in_dim3A_47 : f32 to vector<1x64xf32>
    %slice3A = vector.extract_strided_slice %select_n3A_17 {offsets = [0, 0], sizes = [128, 64], strides = [1, 1]} : vector<2048x64xf32> to vector<128x64xf32>
    %dot_general3A_49 = arith.constant dense<0.000000e+00> : vector<128x64xf32>
    %dot_general3A_50 = tpu.matmul %select_n3A_46, %slice3A, %dot_general3A_49 {dimension_numbers = #tpu.dot_dimension_numbers<[1], [0], [0], [1], [0, 0, 1, 1], [], []>, transpose_lhs_hint = false} : vector<128x128xf32>, vector<128x64xf32>, vector<128x64xf32> -> vector<128x64xf32>
    %add3A_51 = vector.broadcast %broadcast_in_dim3A_48 : vector<1x64xf32> to vector<128x64xf32>
    %add3A_52 = arith.addf %dot_general3A_50, %add3A_51 : vector<128x64xf32>
    %mul3A_53 = arith.mulf %add3A_52, %slice3A : vector<128x64xf32>
    %reduce_sum3A_54 = arith.constant dense<0.000000e+00> : vector<128xf32>
    %reduce_sum3A_55 = vector.multi_reduction <add>, %mul3A_53, %reduce_sum3A_54 [1] : vector<128x64xf32> to vector<128xf32>
    %mul3A_56 = vector.broadcast %mul3A_37 : vector<1x64xf32> to vector<128x64xf32>
    %mul3A_57 = arith.mulf %slice3A, %mul3A_56 : vector<128x64xf32>
    %reduce_sum3A_58 = arith.constant dense<0.000000e+00> : vector<128xf32>
    %reduce_sum3A_59 = vector.multi_reduction <add>, %mul3A_57, %reduce_sum3A_58 [1] : vector<128x64xf32> to vector<128xf32>
    %add3A_60 = arith.addf %reduce_sum3A_59, %reduce_sum3A_55 : vector<128xf32>
    %convert_element_type3A_61 = arith.fptosi %add3A_60 : vector<128xf32> to vector<128xi32>
    %swap3A = arith.constant 0 : index
    %swap3A_62 = arith.constant 0 : index
    %swap3A_63 = vector.load %arg3[%swap3A, %swap3A_62] : memref<1x2048xi32, #tpu.memory_space<vmem>>, vector<1x128xi32>
    %swap3A_64 = vector.shape_cast %swap3A_63 : vector<1x128xi32> to vector<128xi32>
    %swap3A_65 = vector.shape_cast %convert_element_type3A_61 : vector<128xi32> to vector<1x128xi32>
    tpu.vector_store %arg3[%swap3A, %swap3A_62], %swap3A_65 {strides = array<i32>} : memref<1x2048xi32, #tpu.memory_space<vmem>>, vector<1x128xi32>,
    %reduce_sum3A_66 = arith.constant dense<0.000000e+00> : vector<64xf32>
    %reduce_sum3A_67 = vector.multi_reduction <add>, %slice3A, %reduce_sum3A_66 [0] : vector<128x64xf32> to vector<64xf32>
    %broadcast_in_dim3A_68 = vector.shape_cast %reduce_sum3A_67 : vector<64xf32> to vector<1x64xf32>
    %add3A_69 = arith.addf %broadcast_in_dim3A_48, %broadcast_in_dim3A_68 : vector<1x64xf32>
    %slice3A_70 = vector.extract_strided_slice %select_n3A_17 {offsets = [128, 0], sizes = [128, 64], strides = [1, 1]} : vector<2048x64xf32> to vector<128x64xf32>
    %dot_general3A_71 = arith.constant dense<0.000000e+00> : vector<128x64xf32>
    %dot_general3A_72 = tpu.matmul %select_n3A_46, %slice3A_70, %dot_general3A_71 {dimension_numbers = #tpu.dot_dimension_numbers<[1], [0], [0], [1], [0, 0, 1, 1], [], []>, transpose_lhs_hint = false} : vector<128x128xf32>, vector<128x64xf32>, vector<128x64xf32> -> vector<128x64xf32>
    %add3A_73 = vector.broadcast %add3A_69 : vector<1x64xf32> to vector<128x64xf32>
    %add3A_74 = arith.addf %dot_general3A_72, %add3A_73 : vector<128x64xf32>
    %mul3A_75 = arith.mulf %add3A_74, %slice3A_70 : vector<128x64xf32>
    %reduce_sum3A_76 = arith.constant dense<0.000000e+00> : vector<128xf32>
    %reduce_sum3A_77 = vector.multi_reduction <add>, %mul3A_75, %reduce_sum3A_76 [1] : vector<128x64xf32> to vector<128xf32>
    %mul3A_78 = vector.broadcast %mul3A_37 : vector<1x64xf32> to vector<128x64xf32>
    %mul3A_79 = arith.mulf %slice3A_70, %mul3A_78 : vector<128x64xf32>
    %reduce_sum3A_80 = arith.constant dense<0.000000e+00> : vector<128xf32>
    %reduce_sum3A_81 = vector.multi_reduction <add>, %mul3A_79, %reduce_sum3A_80 [1] : vector<128x64xf32> to vector<128xf32>
    %add3A_82 = arith.addf %reduce_sum3A_81, %reduce_sum3A_77 : vector<128xf32>
    %convert_element_type3A_83 = arith.fptosi %add3A_82 : vector<128xf32> to vector<128xi32>
    %swap3A_84 = arith.constant 0 : index
    %swap3A_85 = arith.constant 128 : index
    %swap3A_86 = vector.load %arg3[%swap3A_84, %swap3A_85] : memref<1x2048xi32, #tpu.memory_space<vmem>>, vector<1x128xi32>
    %swap3A_87 = vector.shape_cast %swap3A_86 : vector<1x128xi32> to vector<128xi32>
    %swap3A_88 = vector.shape_cast %convert_element_type3A_83 : vector<128xi32> to vector<1x128xi32>
    tpu.vector_store %arg3[%swap3A_84, %swap3A_85], %swap3A_88 {strides = array<i32>} : memref<1x2048xi32, #tpu.memory_space<vmem>>, vector<1x128xi32>,
    %reduce_sum3A_89 = arith.constant dense<0.000000e+00> : vector<64xf32>
    %reduce_sum3A_90 = vector.multi_reduction <add>, %slice3A_70, %reduce_sum3A_89 [0] : vector<128x64xf32> to vector<64xf32>
    %broadcast_in_dim3A_91 = vector.shape_cast %reduce_sum3A_90 : vector<64xf32> to vector<1x64xf32>
    %add3A_92 = arith.addf %add3A_69, %broadcast_in_dim3A_91 : vector<1x64xf32>
    %slice3A_93 = vector.extract_strided_slice %select_n3A_17 {offsets = [256, 0], sizes = [128, 64], strides = [1, 1]} : vector<2048x64xf32> to vector<128x64xf32>
    %dot_general3A_94 = arith.constant dense<0.000000e+00> : vector<128x64xf32>
    %dot_general3A_95 = tpu.matmul %select_n3A_46, %slice3A_93, %dot_general3A_94 {dimension_numbers = #tpu.dot_dimension_numbers<[1], [0], [0], [1], [0, 0, 1, 1], [], []>, transpose_lhs_hint = false} : vector<128x128xf32>, vector<128x64xf32>, vector<128x64xf32> -> vector<128x64xf32>
    %add3A_96 = vector.broadcast %add3A_92 : vector<1x64xf32> to vector<128x64xf32>
    %add3A_97 = arith.addf %dot_general3A_95, %add3A_96 : vector<128x64xf32>
    %mul3A_98 = arith.mulf %add3A_97, %slice3A_93 : vector<128x64xf32>
    %reduce_sum3A_99 = arith.constant dense<0.000000e+00> : vector<128xf32>
    %reduce_sum3A_100 = vector.multi_reduction <add>, %mul3A_98, %reduce_sum3A_99 [1] : vector<128x64xf32> to vector<128xf32>
    %mul3A_101 = vector.broadcast %mul3A_37 : vector<1x64xf32> to vector<128x64xf32>
    %mul3A_102 = arith.mulf %slice3A_93, %mul3A_101 : vector<128x64xf32>
    %reduce_sum3A_103 = arith.constant dense<0.000000e+00> : vector<128xf32>
    %reduce_sum3A_104 = vector.multi_reduction <add>, %mul3A_102, %reduce_sum3A_103 [1] : vector<128x64xf32> to vector<128xf32>
    %add3A_105 = arith.addf %reduce_sum3A_104, %reduce_sum3A_100 : vector<128xf32>
    %convert_element_type3A_106 = arith.fptosi %add3A_105 : vector<128xf32> to vector<128xi32>
    %swap3A_107 = arith.constant 0 : index
    %swap3A_108 = arith.constant 256 : index
    %swap3A_109 = vector.load %arg3[%swap3A_107, %swap3A_108] : memref<1x2048xi32, #tpu.memory_space<vmem>>, vector<1x128xi32>
    %swap3A_110 = vector.shape_cast %swap3A_109 : vector<1x128xi32> to vector<128xi32>
    %swap3A_111 = vector.shape_cast %convert_element_type3A_106 : vector<128xi32> to vector<1x128xi32>
    tpu.vector_store %arg3[%swap3A_107, %swap3A_108], %swap3A_111 {strides = array<i32>} : memref<1x2048xi32, #tpu.memory_space<vmem>>, vector<1x128xi32>,
    %reduce_sum3A_112 = arith.constant dense<0.000000e+00> : vector<64xf32>
    %reduce_sum3A_113 = vector.multi_reduction <add>, %slice3A_93, %reduce_sum3A_112 [0] : vector<128x64xf32> to vector<64xf32>
    %broadcast_in_dim3A_114 = vector.shape_cast %reduce_sum3A_113 : vector<64xf32> to vector<1x64xf32>
    %add3A_115 = arith.addf %add3A_92, %broadcast_in_dim3A_114 : vector<1x64xf32>
    %slice3A_116 = vector.extract_strided_slice %select_n3A_17 {offsets = [384, 0], sizes = [128, 64], strides = [1, 1]} : vector<2048x64xf32> to vector<128x64xf32>
    %dot_general3A_117 = arith.constant dense<0.000000e+00> : vector<128x64xf32>
    %dot_general3A_118 = tpu.matmul %select_n3A_46, %slice3A_116, %dot_general3A_117 {dimension_numbers = #tpu.dot_dimension_numbers<[1], [0], [0], [1], [0, 0, 1, 1], [], []>, transpose_lhs_hint = false} : vector<128x128xf32>, vector<128x64xf32>, vector<128x64xf32> -> vector<128x64xf32>
    %add3A_119 = vector.broadcast %add3A_115 : vector<1x64xf32> to vector<128x64xf32>
    %add3A_120 = arith.addf %dot_general3A_118, %add3A_119 : vector<128x64xf32>
    %mul3A_121 = arith.mulf %add3A_120, %slice3A_116 : vector<128x64xf32>
    %reduce_sum3A_122 = arith.constant dense<0.000000e+00> : vector<128xf32>
    %reduce_sum3A_123 = vector.multi_reduction <add>, %mul3A_121, %reduce_sum3A_122 [1] : vector<128x64xf32> to vector<128xf32>
    %mul3A_124 = vector.broadcast %mul3A_37 : vector<1x64xf32> to vector<128x64xf32>
    %mul3A_125 = arith.mulf %slice3A_116, %mul3A_124 : vector<128x64xf32>
    %reduce_sum3A_126 = arith.constant dense<0.000000e+00> : vector<128xf32>
    %reduce_sum3A_127 = vector.multi_reduction <add>, %mul3A_125, %reduce_sum3A_126 [1] : vector<128x64xf32> to vector<128xf32>
    %add3A_128 = arith.addf %reduce_sum3A_127, %reduce_sum3A_123 : vector<128xf32>
    %convert_element_type3A_129 = arith.fptosi %add3A_128 : vector<128xf32> to vector<128xi32>
    %swap3A_130 = arith.constant 0 : index
    %swap3A_131 = arith.constant 384 : index
    %swap3A_132 = vector.load %arg3[%swap3A_130, %swap3A_131] : memref<1x2048xi32, #tpu.memory_space<vmem>>, vector<1x128xi32>
    %swap3A_133 = vector.shape_cast %swap3A_132 : vector<1x128xi32> to vector<128xi32>
    %swap3A_134 = vector.shape_cast %convert_element_type3A_129 : vector<128xi32> to vector<1x128xi32>
    tpu.vector_store %arg3[%swap3A_130, %swap3A_131], %swap3A_134 {strides = array<i32>} : memref<1x2048xi32, #tpu.memory_space<vmem>>, vector<1x128xi32>,
    %reduce_sum3A_135 = arith.constant dense<0.000000e+00> : vector<64xf32>
    %reduce_sum3A_136 = vector.multi_reduction <add>, %slice3A_116, %reduce_sum3A_135 [0] : vector<128x64xf32> to vector<64xf32>
    %broadcast_in_dim3A_137 = vector.shape_cast %reduce_sum3A_136 : vector<64xf32> to vector<1x64xf32>
    %add3A_138 = arith.addf %add3A_115, %broadcast_in_dim3A_137 : vector<1x64xf32>
    %slice3A_139 = vector.extract_strided_slice %select_n3A_17 {offsets = [512, 0], sizes = [128, 64], strides = [1, 1]} : vector<2048x64xf32> to vector<128x64xf32>
    %dot_general3A_140 = arith.constant dense<0.000000e+00> : vector<128x64xf32>
    %dot_general3A_141 = tpu.matmul %select_n3A_46, %slice3A_139, %dot_general3A_140 {dimension_numbers = #tpu.dot_dimension_numbers<[1], [0], [0], [1], [0, 0, 1, 1], [], []>, transpose_lhs_hint = false} : vector<128x128xf32>, vector<128x64xf32>, vector<128x64xf32> -> vector<128x64xf32>
    %add3A_142 = vector.broadcast %add3A_138 : vector<1x64xf32> to vector<128x64xf32>
    %add3A_143 = arith.addf %dot_general3A_141, %add3A_142 : vector<128x64xf32>
    %mul3A_144 = arith.mulf %add3A_143, %slice3A_139 : vector<128x64xf32>
    %reduce_sum3A_145 = arith.constant dense<0.000000e+00> : vector<128xf32>
    %reduce_sum3A_146 = vector.multi_reduction <add>, %mul3A_144, %reduce_sum3A_145 [1] : vector<128x64xf32> to vector<128xf32>
    %mul3A_147 = vector.broadcast %mul3A_37 : vector<1x64xf32> to vector<128x64xf32>
    %mul3A_148 = arith.mulf %slice3A_139, %mul3A_147 : vector<128x64xf32>
    %reduce_sum3A_149 = arith.constant dense<0.000000e+00> : vector<128xf32>
    %reduce_sum3A_150 = vector.multi_reduction <add>, %mul3A_148, %reduce_sum3A_149 [1] : vector<128x64xf32> to vector<128xf32>
    %add3A_151 = arith.addf %reduce_sum3A_150, %reduce_sum3A_146 : vector<128xf32>
    %convert_element_type3A_152 = arith.fptosi %add3A_151 : vector<128xf32> to vector<128xi32>
    %swap3A_153 = arith.constant 0 : index
    %swap3A_154 = arith.constant 512 : index
    %swap3A_155 = vector.load %arg3[%swap3A_153, %swap3A_154] : memref<1x2048xi32, #tpu.memory_space<vmem>>, vector<1x128xi32>
    %swap3A_156 = vector.shape_cast %swap3A_155 : vector<1x128xi32> to vector<128xi32>
    %swap3A_157 = vector.shape_cast %convert_element_type3A_152 : vector<128xi32> to vector<1x128xi32>
    tpu.vector_store %arg3[%swap3A_153, %swap3A_154], %swap3A_157 {strides = array<i32>} : memref<1x2048xi32, #tpu.memory_space<vmem>>, vector<1x128xi32>,
    %reduce_sum3A_158 = arith.constant dense<0.000000e+00> : vector<64xf32>
    %reduce_sum3A_159 = vector.multi_reduction <add>, %slice3A_139, %reduce_sum3A_158 [0] : vector<128x64xf32> to vector<64xf32>
    %broadcast_in_dim3A_160 = vector.shape_cast %reduce_sum3A_159 : vector<64xf32> to vector<1x64xf32>
    %add3A_161 = arith.addf %add3A_138, %broadcast_in_dim3A_160 : vector<1x64xf32>
    %slice3A_162 = vector.extract_strided_slice %select_n3A_17 {offsets = [640, 0], sizes = [128, 64], strides = [1, 1]} : vector<2048x64xf32> to vector<128x64xf32>
    %dot_general3A_163 = arith.constant dense<0.000000e+00> : vector<128x64xf32>
    %dot_general3A_164 = tpu.matmul %select_n3A_46, %slice3A_162, %dot_general3A_163 {dimension_numbers = #tpu.dot_dimension_numbers<[1], [0], [0], [1], [0, 0, 1, 1], [], []>, transpose_lhs_hint = false} : vector<128x128xf32>, vector<128x64xf32>, vector<128x64xf32> -> vector<128x64xf32>
    %add3A_165 = vector.broadcast %add3A_161 : vector<1x64xf32> to vector<128x64xf32>
    %add3A_166 = arith.addf %dot_general3A_164, %add3A_165 : vector<128x64xf32>
    %mul3A_167 = arith.mulf %add3A_166, %slice3A_162 : vector<128x64xf32>
    %reduce_sum3A_168 = arith.constant dense<0.000000e+00> : vector<128xf32>
    %reduce_sum3A_169 = vector.multi_reduction <add>, %mul3A_167, %reduce_sum3A_168 [1] : vector<128x64xf32> to vector<128xf32>
    %mul3A_170 = vector.broadcast %mul3A_37 : vector<1x64xf32> to vector<128x64xf32>
    %mul3A_171 = arith.mulf %slice3A_162, %mul3A_170 : vector<128x64xf32>
    %reduce_sum3A_172 = arith.constant dense<0.000000e+00> : vector<128xf32>
    %reduce_sum3A_173 = vector.multi_reduction <add>, %mul3A_171, %reduce_sum3A_172 [1] : vector<128x64xf32> to vector<128xf32>
    %add3A_174 = arith.addf %reduce_sum3A_173, %reduce_sum3A_169 : vector<128xf32>
    %convert_element_type3A_175 = arith.fptosi %add3A_174 : vector<128xf32> to vector<128xi32>
    %swap3A_176 = arith.constant 0 : index
    %swap3A_177 = arith.constant 640 : index
    %swap3A_178 = vector.load %arg3[%swap3A_176, %swap3A_177] : memref<1x2048xi32, #tpu.memory_space<vmem>>, vector<1x128xi32>
    %swap3A_179 = vector.shape_cast %swap3A_178 : vector<1x128xi32> to vector<128xi32>
    %swap3A_180 = vector.shape_cast %convert_element_type3A_175 : vector<128xi32> to vector<1x128xi32>
    tpu.vector_store %arg3[%swap3A_176, %swap3A_177], %swap3A_180 {strides = array<i32>} : memref<1x2048xi32, #tpu.memory_space<vmem>>, vector<1x128xi32>,
    %reduce_sum3A_181 = arith.constant dense<0.000000e+00> : vector<64xf32>
    %reduce_sum3A_182 = vector.multi_reduction <add>, %slice3A_162, %reduce_sum3A_181 [0] : vector<128x64xf32> to vector<64xf32>
    %broadcast_in_dim3A_183 = vector.shape_cast %reduce_sum3A_182 : vector<64xf32> to vector<1x64xf32>
    %add3A_184 = arith.addf %add3A_161, %broadcast_in_dim3A_183 : vector<1x64xf32>
    %slice3A_185 = vector.extract_strided_slice %select_n3A_17 {offsets = [768, 0], sizes = [128, 64], strides = [1, 1]} : vector<2048x64xf32> to vector<128x64xf32>
    %dot_general3A_186 = arith.constant dense<0.000000e+00> : vector<128x64xf32>
    %dot_general3A_187 = tpu.matmul %select_n3A_46, %slice3A_185, %dot_general3A_186 {dimension_numbers = #tpu.dot_dimension_numbers<[1], [0], [0], [1], [0, 0, 1, 1], [], []>, transpose_lhs_hint = false} : vector<128x128xf32>, vector<128x64xf32>, vector<128x64xf32> -> vector<128x64xf32>
    %add3A_188 = vector.broadcast %add3A_184 : vector<1x64xf32> to vector<128x64xf32>
    %add3A_189 = arith.addf %dot_general3A_187, %add3A_188 : vector<128x64xf32>
    %mul3A_190 = arith.mulf %add3A_189, %slice3A_185 : vector<128x64xf32>
    %reduce_sum3A_191 = arith.constant dense<0.000000e+00> : vector<128xf32>
    %reduce_sum3A_192 = vector.multi_reduction <add>, %mul3A_190, %reduce_sum3A_191 [1] : vector<128x64xf32> to vector<128xf32>
    %mul3A_193 = vector.broadcast %mul3A_37 : vector<1x64xf32> to vector<128x64xf32>
    %mul3A_194 = arith.mulf %slice3A_185, %mul3A_193 : vector<128x64xf32>
    %reduce_sum3A_195 = arith.constant dense<0.000000e+00> : vector<128xf32>
    %reduce_sum3A_196 = vector.multi_reduction <add>, %mul3A_194, %reduce_sum3A_195 [1] : vector<128x64xf32> to vector<128xf32>
    %add3A_197 = arith.addf %reduce_sum3A_196, %reduce_sum3A_192 : vector<128xf32>
    %convert_element_type3A_198 = arith.fptosi %add3A_197 : vector<128xf32> to vector<128xi32>
    %swap3A_199 = arith.constant 0 : index
    %swap3A_200 = arith.constant 768 : index
    %swap3A_201 = vector.load %arg3[%swap3A_199, %swap3A_200] : memref<1x2048xi32, #tpu.memory_space<vmem>>, vector<1x128xi32>
    %swap3A_202 = vector.shape_cast %swap3A_201 : vector<1x128xi32> to vector<128xi32>
    %swap3A_203 = vector.shape_cast %convert_element_type3A_198 : vector<128xi32> to vector<1x128xi32>
    tpu.vector_store %arg3[%swap3A_199, %swap3A_200], %swap3A_203 {strides = array<i32>} : memref<1x2048xi32, #tpu.memory_space<vmem>>, vector<1x128xi32>,
    %reduce_sum3A_204 = arith.constant dense<0.000000e+00> : vector<64xf32>
    %reduce_sum3A_205 = vector.multi_reduction <add>, %slice3A_185, %reduce_sum3A_204 [0] : vector<128x64xf32> to vector<64xf32>
    %broadcast_in_dim3A_206 = vector.shape_cast %reduce_sum3A_205 : vector<64xf32> to vector<1x64xf32>
    %add3A_207 = arith.addf %add3A_184, %broadcast_in_dim3A_206 : vector<1x64xf32>
    %slice3A_208 = vector.extract_strided_slice %select_n3A_17 {offsets = [896, 0], sizes = [128, 64], strides = [1, 1]} : vector<2048x64xf32> to vector<128x64xf32>
    %dot_general3A_209 = arith.constant dense<0.000000e+00> : vector<128x64xf32>
    %dot_general3A_210 = tpu.matmul %select_n3A_46, %slice3A_208, %dot_general3A_209 {dimension_numbers = #tpu.dot_dimension_numbers<[1], [0], [0], [1], [0, 0, 1, 1], [], []>, transpose_lhs_hint = false} : vector<128x128xf32>, vector<128x64xf32>, vector<128x64xf32> -> vector<128x64xf32>
    %add3A_211 = vector.broadcast %add3A_207 : vector<1x64xf32> to vector<128x64xf32>
    %add3A_212 = arith.addf %dot_general3A_210, %add3A_211 : vector<128x64xf32>
    %mul3A_213 = arith.mulf %add3A_212, %slice3A_208 : vector<128x64xf32>
    %reduce_sum3A_214 = arith.constant dense<0.000000e+00> : vector<128xf32>
    %reduce_sum3A_215 = vector.multi_reduction <add>, %mul3A_213, %reduce_sum3A_214 [1] : vector<128x64xf32> to vector<128xf32>
    %mul3A_216 = vector.broadcast %mul3A_37 : vector<1x64xf32> to vector<128x64xf32>
    %mul3A_217 = arith.mulf %slice3A_208, %mul3A_216 : vector<128x64xf32>
    %reduce_sum3A_218 = arith.constant dense<0.000000e+00> : vector<128xf32>
    %reduce_sum3A_219 = vector.multi_reduction <add>, %mul3A_217, %reduce_sum3A_218 [1] : vector<128x64xf32> to vector<128xf32>
    %add3A_220 = arith.addf %reduce_sum3A_219, %reduce_sum3A_215 : vector<128xf32>
    %convert_element_type3A_221 = arith.fptosi %add3A_220 : vector<128xf32> to vector<128xi32>
    %swap3A_222 = arith.constant 0 : index
    %swap3A_223 = arith.constant 896 : index
    %swap3A_224 = vector.load %arg3[%swap3A_222, %swap3A_223] : memref<1x2048xi32, #tpu.memory_space<vmem>>, vector<1x128xi32>
    %swap3A_225 = vector.shape_cast %swap3A_224 : vector<1x128xi32> to vector<128xi32>
    %swap3A_226 = vector.shape_cast %convert_element_type3A_221 : vector<128xi32> to vector<1x128xi32>
    tpu.vector_store %arg3[%swap3A_222, %swap3A_223], %swap3A_226 {strides = array<i32>} : memref<1x2048xi32, #tpu.memory_space<vmem>>, vector<1x128xi32>,
    %reduce_sum3A_227 = arith.constant dense<0.000000e+00> : vector<64xf32>
    %reduce_sum3A_228 = vector.multi_reduction <add>, %slice3A_208, %reduce_sum3A_227 [0] : vector<128x64xf32> to vector<64xf32>
    %broadcast_in_dim3A_229 = vector.shape_cast %reduce_sum3A_228 : vector<64xf32> to vector<1x64xf32>
    %add3A_230 = arith.addf %add3A_207, %broadcast_in_dim3A_229 : vector<1x64xf32>
    %slice3A_231 = vector.extract_strided_slice %select_n3A_17 {offsets = [1024, 0], sizes = [128, 64], strides = [1, 1]} : vector<2048x64xf32> to vector<128x64xf32>
    %dot_general3A_232 = arith.constant dense<0.000000e+00> : vector<128x64xf32>
    %dot_general3A_233 = tpu.matmul %select_n3A_46, %slice3A_231, %dot_general3A_232 {dimension_numbers = #tpu.dot_dimension_numbers<[1], [0], [0], [1], [0, 0, 1, 1], [], []>, transpose_lhs_hint = false} : vector<128x128xf32>, vector<128x64xf32>, vector<128x64xf32> -> vector<128x64xf32>
    %add3A_234 = vector.broadcast %add3A_230 : vector<1x64xf32> to vector<128x64xf32>
    %add3A_235 = arith.addf %dot_general3A_233, %add3A_234 : vector<128x64xf32>
    %mul3A_236 = arith.mulf %add3A_235, %slice3A_231 : vector<128x64xf32>
    %reduce_sum3A_237 = arith.constant dense<0.000000e+00> : vector<128xf32>
    %reduce_sum3A_238 = vector.multi_reduction <add>, %mul3A_236, %reduce_sum3A_237 [1] : vector<128x64xf32> to vector<128xf32>
    %mul3A_239 = vector.broadcast %mul3A_37 : vector<1x64xf32> to vector<128x64xf32>
    %mul3A_240 = arith.mulf %slice3A_231, %mul3A_239 : vector<128x64xf32>
    %reduce_sum3A_241 = arith.constant dense<0.000000e+00> : vector<128xf32>
    %reduce_sum3A_242 = vector.multi_reduction <add>, %mul3A_240, %reduce_sum3A_241 [1] : vector<128x64xf32> to vector<128xf32>
    %add3A_243 = arith.addf %reduce_sum3A_242, %reduce_sum3A_238 : vector<128xf32>
    %convert_element_type3A_244 = arith.fptosi %add3A_243 : vector<128xf32> to vector<128xi32>
    %swap3A_245 = arith.constant 0 : index
    %swap3A_246 = arith.constant 1024 : index
    %swap3A_247 = vector.load %arg3[%swap3A_245, %swap3A_246] : memref<1x2048xi32, #tpu.memory_space<vmem>>, vector<1x128xi32>
    %swap3A_248 = vector.shape_cast %swap3A_247 : vector<1x128xi32> to vector<128xi32>
    %swap3A_249 = vector.shape_cast %convert_element_type3A_244 : vector<128xi32> to vector<1x128xi32>
    tpu.vector_store %arg3[%swap3A_245, %swap3A_246], %swap3A_249 {strides = array<i32>} : memref<1x2048xi32, #tpu.memory_space<vmem>>, vector<1x128xi32>,
    %reduce_sum3A_250 = arith.constant dense<0.000000e+00> : vector<64xf32>
    %reduce_sum3A_251 = vector.multi_reduction <add>, %slice3A_231, %reduce_sum3A_250 [0] : vector<128x64xf32> to vector<64xf32>
    %broadcast_in_dim3A_252 = vector.shape_cast %reduce_sum3A_251 : vector<64xf32> to vector<1x64xf32>
    %add3A_253 = arith.addf %add3A_230, %broadcast_in_dim3A_252 : vector<1x64xf32>
    %slice3A_254 = vector.extract_strided_slice %select_n3A_17 {offsets = [1152, 0], sizes = [128, 64], strides = [1, 1]} : vector<2048x64xf32> to vector<128x64xf32>
    %dot_general3A_255 = arith.constant dense<0.000000e+00> : vector<128x64xf32>
    %dot_general3A_256 = tpu.matmul %select_n3A_46, %slice3A_254, %dot_general3A_255 {dimension_numbers = #tpu.dot_dimension_numbers<[1], [0], [0], [1], [0, 0, 1, 1], [], []>, transpose_lhs_hint = false} : vector<128x128xf32>, vector<128x64xf32>, vector<128x64xf32> -> vector<128x64xf32>
    %add3A_257 = vector.broadcast %add3A_253 : vector<1x64xf32> to vector<128x64xf32>
    %add3A_258 = arith.addf %dot_general3A_256, %add3A_257 : vector<128x64xf32>
    %mul3A_259 = arith.mulf %add3A_258, %slice3A_254 : vector<128x64xf32>
    %reduce_sum3A_260 = arith.constant dense<0.000000e+00> : vector<128xf32>
    %reduce_sum3A_261 = vector.multi_reduction <add>, %mul3A_259, %reduce_sum3A_260 [1] : vector<128x64xf32> to vector<128xf32>
    %mul3A_262 = vector.broadcast %mul3A_37 : vector<1x64xf32> to vector<128x64xf32>
    %mul3A_263 = arith.mulf %slice3A_254, %mul3A_262 : vector<128x64xf32>
    %reduce_sum3A_264 = arith.constant dense<0.000000e+00> : vector<128xf32>
    %reduce_sum3A_265 = vector.multi_reduction <add>, %mul3A_263, %reduce_sum3A_264 [1] : vector<128x64xf32> to vector<128xf32>
    %add3A_266 = arith.addf %reduce_sum3A_265, %reduce_sum3A_261 : vector<128xf32>
    %convert_element_type3A_267 = arith.fptosi %add3A_266 : vector<128xf32> to vector<128xi32>
    %swap3A_268 = arith.constant 0 : index
    %swap3A_269 = arith.constant 1152 : index
    %swap3A_270 = vector.load %arg3[%swap3A_268, %swap3A_269] : memref<1x2048xi32, #tpu.memory_space<vmem>>, vector<1x128xi32>
    %swap3A_271 = vector.shape_cast %swap3A_270 : vector<1x128xi32> to vector<128xi32>
    %swap3A_272 = vector.shape_cast %convert_element_type3A_267 : vector<128xi32> to vector<1x128xi32>
    tpu.vector_store %arg3[%swap3A_268, %swap3A_269], %swap3A_272 {strides = array<i32>} : memref<1x2048xi32, #tpu.memory_space<vmem>>, vector<1x128xi32>,
    %reduce_sum3A_273 = arith.constant dense<0.000000e+00> : vector<64xf32>
    %reduce_sum3A_274 = vector.multi_reduction <add>, %slice3A_254, %reduce_sum3A_273 [0] : vector<128x64xf32> to vector<64xf32>
    %broadcast_in_dim3A_275 = vector.shape_cast %reduce_sum3A_274 : vector<64xf32> to vector<1x64xf32>
    %add3A_276 = arith.addf %add3A_253, %broadcast_in_dim3A_275 : vector<1x64xf32>
    %slice3A_277 = vector.extract_strided_slice %select_n3A_17 {offsets = [1280, 0], sizes = [128, 64], strides = [1, 1]} : vector<2048x64xf32> to vector<128x64xf32>
    %dot_general3A_278 = arith.constant dense<0.000000e+00> : vector<128x64xf32>
    %dot_general3A_279 = tpu.matmul %select_n3A_46, %slice3A_277, %dot_general3A_278 {dimension_numbers = #tpu.dot_dimension_numbers<[1], [0], [0], [1], [0, 0, 1, 1], [], []>, transpose_lhs_hint = false} : vector<128x128xf32>, vector<128x64xf32>, vector<128x64xf32> -> vector<128x64xf32>
    %add3A_280 = vector.broadcast %add3A_276 : vector<1x64xf32> to vector<128x64xf32>
    %add3A_281 = arith.addf %dot_general3A_279, %add3A_280 : vector<128x64xf32>
    %mul3A_282 = arith.mulf %add3A_281, %slice3A_277 : vector<128x64xf32>
    %reduce_sum3A_283 = arith.constant dense<0.000000e+00> : vector<128xf32>
    %reduce_sum3A_284 = vector.multi_reduction <add>, %mul3A_282, %reduce_sum3A_283 [1] : vector<128x64xf32> to vector<128xf32>
    %mul3A_285 = vector.broadcast %mul3A_37 : vector<1x64xf32> to vector<128x64xf32>
    %mul3A_286 = arith.mulf %slice3A_277, %mul3A_285 : vector<128x64xf32>
    %reduce_sum3A_287 = arith.constant dense<0.000000e+00> : vector<128xf32>
    %reduce_sum3A_288 = vector.multi_reduction <add>, %mul3A_286, %reduce_sum3A_287 [1] : vector<128x64xf32> to vector<128xf32>
    %add3A_289 = arith.addf %reduce_sum3A_288, %reduce_sum3A_284 : vector<128xf32>
    %convert_element_type3A_290 = arith.fptosi %add3A_289 : vector<128xf32> to vector<128xi32>
    %swap3A_291 = arith.constant 0 : index
    %swap3A_292 = arith.constant 1280 : index
    %swap3A_293 = vector.load %arg3[%swap3A_291, %swap3A_292] : memref<1x2048xi32, #tpu.memory_space<vmem>>, vector<1x128xi32>
    %swap3A_294 = vector.shape_cast %swap3A_293 : vector<1x128xi32> to vector<128xi32>
    %swap3A_295 = vector.shape_cast %convert_element_type3A_290 : vector<128xi32> to vector<1x128xi32>
    tpu.vector_store %arg3[%swap3A_291, %swap3A_292], %swap3A_295 {strides = array<i32>} : memref<1x2048xi32, #tpu.memory_space<vmem>>, vector<1x128xi32>,
    %reduce_sum3A_296 = arith.constant dense<0.000000e+00> : vector<64xf32>
    %reduce_sum3A_297 = vector.multi_reduction <add>, %slice3A_277, %reduce_sum3A_296 [0] : vector<128x64xf32> to vector<64xf32>
    %broadcast_in_dim3A_298 = vector.shape_cast %reduce_sum3A_297 : vector<64xf32> to vector<1x64xf32>
    %add3A_299 = arith.addf %add3A_276, %broadcast_in_dim3A_298 : vector<1x64xf32>
    %slice3A_300 = vector.extract_strided_slice %select_n3A_17 {offsets = [1408, 0], sizes = [128, 64], strides = [1, 1]} : vector<2048x64xf32> to vector<128x64xf32>
    %dot_general3A_301 = arith.constant dense<0.000000e+00> : vector<128x64xf32>
    %dot_general3A_302 = tpu.matmul %select_n3A_46, %slice3A_300, %dot_general3A_301 {dimension_numbers = #tpu.dot_dimension_numbers<[1], [0], [0], [1], [0, 0, 1, 1], [], []>, transpose_lhs_hint = false} : vector<128x128xf32>, vector<128x64xf32>, vector<128x64xf32> -> vector<128x64xf32>
    %add3A_303 = vector.broadcast %add3A_299 : vector<1x64xf32> to vector<128x64xf32>
    %add3A_304 = arith.addf %dot_general3A_302, %add3A_303 : vector<128x64xf32>
    %mul3A_305 = arith.mulf %add3A_304, %slice3A_300 : vector<128x64xf32>
    %reduce_sum3A_306 = arith.constant dense<0.000000e+00> : vector<128xf32>
    %reduce_sum3A_307 = vector.multi_reduction <add>, %mul3A_305, %reduce_sum3A_306 [1] : vector<128x64xf32> to vector<128xf32>
    %mul3A_308 = vector.broadcast %mul3A_37 : vector<1x64xf32> to vector<128x64xf32>
    %mul3A_309 = arith.mulf %slice3A_300, %mul3A_308 : vector<128x64xf32>
    %reduce_sum3A_310 = arith.constant dense<0.000000e+00> : vector<128xf32>
    %reduce_sum3A_311 = vector.multi_reduction <add>, %mul3A_309, %reduce_sum3A_310 [1] : vector<128x64xf32> to vector<128xf32>
    %add3A_312 = arith.addf %reduce_sum3A_311, %reduce_sum3A_307 : vector<128xf32>
    %convert_element_type3A_313 = arith.fptosi %add3A_312 : vector<128xf32> to vector<128xi32>
    %swap3A_314 = arith.constant 0 : index
    %swap3A_315 = arith.constant 1408 : index
    %swap3A_316 = vector.load %arg3[%swap3A_314, %swap3A_315] : memref<1x2048xi32, #tpu.memory_space<vmem>>, vector<1x128xi32>
    %swap3A_317 = vector.shape_cast %swap3A_316 : vector<1x128xi32> to vector<128xi32>
    %swap3A_318 = vector.shape_cast %convert_element_type3A_313 : vector<128xi32> to vector<1x128xi32>
    tpu.vector_store %arg3[%swap3A_314, %swap3A_315], %swap3A_318 {strides = array<i32>} : memref<1x2048xi32, #tpu.memory_space<vmem>>, vector<1x128xi32>,
    %reduce_sum3A_319 = arith.constant dense<0.000000e+00> : vector<64xf32>
    %reduce_sum3A_320 = vector.multi_reduction <add>, %slice3A_300, %reduce_sum3A_319 [0] : vector<128x64xf32> to vector<64xf32>
    %broadcast_in_dim3A_321 = vector.shape_cast %reduce_sum3A_320 : vector<64xf32> to vector<1x64xf32>
    %add3A_322 = arith.addf %add3A_299, %broadcast_in_dim3A_321 : vector<1x64xf32>
    %slice3A_323 = vector.extract_strided_slice %select_n3A_17 {offsets = [1536, 0], sizes = [128, 64], strides = [1, 1]} : vector<2048x64xf32> to vector<128x64xf32>
    %dot_general3A_324 = arith.constant dense<0.000000e+00> : vector<128x64xf32>
    %dot_general3A_325 = tpu.matmul %select_n3A_46, %slice3A_323, %dot_general3A_324 {dimension_numbers = #tpu.dot_dimension_numbers<[1], [0], [0], [1], [0, 0, 1, 1], [], []>, transpose_lhs_hint = false} : vector<128x128xf32>, vector<128x64xf32>, vector<128x64xf32> -> vector<128x64xf32>
    %add3A_326 = vector.broadcast %add3A_322 : vector<1x64xf32> to vector<128x64xf32>
    %add3A_327 = arith.addf %dot_general3A_325, %add3A_326 : vector<128x64xf32>
    %mul3A_328 = arith.mulf %add3A_327, %slice3A_323 : vector<128x64xf32>
    %reduce_sum3A_329 = arith.constant dense<0.000000e+00> : vector<128xf32>
    %reduce_sum3A_330 = vector.multi_reduction <add>, %mul3A_328, %reduce_sum3A_329 [1] : vector<128x64xf32> to vector<128xf32>
    %mul3A_331 = vector.broadcast %mul3A_37 : vector<1x64xf32> to vector<128x64xf32>
    %mul3A_332 = arith.mulf %slice3A_323, %mul3A_331 : vector<128x64xf32>
    %reduce_sum3A_333 = arith.constant dense<0.000000e+00> : vector<128xf32>
    %reduce_sum3A_334 = vector.multi_reduction <add>, %mul3A_332, %reduce_sum3A_333 [1] : vector<128x64xf32> to vector<128xf32>
    %add3A_335 = arith.addf %reduce_sum3A_334, %reduce_sum3A_330 : vector<128xf32>
    %convert_element_type3A_336 = arith.fptosi %add3A_335 : vector<128xf32> to vector<128xi32>
    %swap3A_337 = arith.constant 0 : index
    %swap3A_338 = arith.constant 1536 : index
    %swap3A_339 = vector.load %arg3[%swap3A_337, %swap3A_338] : memref<1x2048xi32, #tpu.memory_space<vmem>>, vector<1x128xi32>
    %swap3A_340 = vector.shape_cast %swap3A_339 : vector<1x128xi32> to vector<128xi32>
    %swap3A_341 = vector.shape_cast %convert_element_type3A_336 : vector<128xi32> to vector<1x128xi32>
    tpu.vector_store %arg3[%swap3A_337, %swap3A_338], %swap3A_341 {strides = array<i32>} : memref<1x2048xi32, #tpu.memory_space<vmem>>, vector<1x128xi32>,
    %reduce_sum3A_342 = arith.constant dense<0.000000e+00> : vector<64xf32>
    %reduce_sum3A_343 = vector.multi_reduction <add>, %slice3A_323, %reduce_sum3A_342 [0] : vector<128x64xf32> to vector<64xf32>
    %broadcast_in_dim3A_344 = vector.shape_cast %reduce_sum3A_343 : vector<64xf32> to vector<1x64xf32>
    %add3A_345 = arith.addf %add3A_322, %broadcast_in_dim3A_344 : vector<1x64xf32>
    %slice3A_346 = vector.extract_strided_slice %select_n3A_17 {offsets = [1664, 0], sizes = [128, 64], strides = [1, 1]} : vector<2048x64xf32> to vector<128x64xf32>
    %dot_general3A_347 = arith.constant dense<0.000000e+00> : vector<128x64xf32>
    %dot_general3A_348 = tpu.matmul %select_n3A_46, %slice3A_346, %dot_general3A_347 {dimension_numbers = #tpu.dot_dimension_numbers<[1], [0], [0], [1], [0, 0, 1, 1], [], []>, transpose_lhs_hint = false} : vector<128x128xf32>, vector<128x64xf32>, vector<128x64xf32> -> vector<128x64xf32>
    %add3A_349 = vector.broadcast %add3A_345 : vector<1x64xf32> to vector<128x64xf32>
    %add3A_350 = arith.addf %dot_general3A_348, %add3A_349 : vector<128x64xf32>
    %mul3A_351 = arith.mulf %add3A_350, %slice3A_346 : vector<128x64xf32>
    %reduce_sum3A_352 = arith.constant dense<0.000000e+00> : vector<128xf32>
    %reduce_sum3A_353 = vector.multi_reduction <add>, %mul3A_351, %reduce_sum3A_352 [1] : vector<128x64xf32> to vector<128xf32>
    %mul3A_354 = vector.broadcast %mul3A_37 : vector<1x64xf32> to vector<128x64xf32>
    %mul3A_355 = arith.mulf %slice3A_346, %mul3A_354 : vector<128x64xf32>
    %reduce_sum3A_356 = arith.constant dense<0.000000e+00> : vector<128xf32>
    %reduce_sum3A_357 = vector.multi_reduction <add>, %mul3A_355, %reduce_sum3A_356 [1] : vector<128x64xf32> to vector<128xf32>
    %add3A_358 = arith.addf %reduce_sum3A_357, %reduce_sum3A_353 : vector<128xf32>
    %convert_element_type3A_359 = arith.fptosi %add3A_358 : vector<128xf32> to vector<128xi32>
    %swap3A_360 = arith.constant 0 : index
    %swap3A_361 = arith.constant 1664 : index
    %swap3A_362 = vector.load %arg3[%swap3A_360, %swap3A_361] : memref<1x2048xi32, #tpu.memory_space<vmem>>, vector<1x128xi32>
    %swap3A_363 = vector.shape_cast %swap3A_362 : vector<1x128xi32> to vector<128xi32>
    %swap3A_364 = vector.shape_cast %convert_element_type3A_359 : vector<128xi32> to vector<1x128xi32>
    tpu.vector_store %arg3[%swap3A_360, %swap3A_361], %swap3A_364 {strides = array<i32>} : memref<1x2048xi32, #tpu.memory_space<vmem>>, vector<1x128xi32>,
    %reduce_sum3A_365 = arith.constant dense<0.000000e+00> : vector<64xf32>
    %reduce_sum3A_366 = vector.multi_reduction <add>, %slice3A_346, %reduce_sum3A_365 [0] : vector<128x64xf32> to vector<64xf32>
    %broadcast_in_dim3A_367 = vector.shape_cast %reduce_sum3A_366 : vector<64xf32> to vector<1x64xf32>
    %add3A_368 = arith.addf %add3A_345, %broadcast_in_dim3A_367 : vector<1x64xf32>
    %slice3A_369 = vector.extract_strided_slice %select_n3A_17 {offsets = [1792, 0], sizes = [128, 64], strides = [1, 1]} : vector<2048x64xf32> to vector<128x64xf32>
    %dot_general3A_370 = arith.constant dense<0.000000e+00> : vector<128x64xf32>
    %dot_general3A_371 = tpu.matmul %select_n3A_46, %slice3A_369, %dot_general3A_370 {dimension_numbers = #tpu.dot_dimension_numbers<[1], [0], [0], [1], [0, 0, 1, 1], [], []>, transpose_lhs_hint = false} : vector<128x128xf32>, vector<128x64xf32>, vector<128x64xf32> -> vector<128x64xf32>
    %add3A_372 = vector.broadcast %add3A_368 : vector<1x64xf32> to vector<128x64xf32>
    %add3A_373 = arith.addf %dot_general3A_371, %add3A_372 : vector<128x64xf32>
    %mul3A_374 = arith.mulf %add3A_373, %slice3A_369 : vector<128x64xf32>
    %reduce_sum3A_375 = arith.constant dense<0.000000e+00> : vector<128xf32>
    %reduce_sum3A_376 = vector.multi_reduction <add>, %mul3A_374, %reduce_sum3A_375 [1] : vector<128x64xf32> to vector<128xf32>
    %mul3A_377 = vector.broadcast %mul3A_37 : vector<1x64xf32> to vector<128x64xf32>
    %mul3A_378 = arith.mulf %slice3A_369, %mul3A_377 : vector<128x64xf32>
    %reduce_sum3A_379 = arith.constant dense<0.000000e+00> : vector<128xf32>
    %reduce_sum3A_380 = vector.multi_reduction <add>, %mul3A_378, %reduce_sum3A_379 [1] : vector<128x64xf32> to vector<128xf32>
    %add3A_381 = arith.addf %reduce_sum3A_380, %reduce_sum3A_376 : vector<128xf32>
    %convert_element_type3A_382 = arith.fptosi %add3A_381 : vector<128xf32> to vector<128xi32>
    %swap3A_383 = arith.constant 0 : index
    %swap3A_384 = arith.constant 1792 : index
    %swap3A_385 = vector.load %arg3[%swap3A_383, %swap3A_384] : memref<1x2048xi32, #tpu.memory_space<vmem>>, vector<1x128xi32>
    %swap3A_386 = vector.shape_cast %swap3A_385 : vector<1x128xi32> to vector<128xi32>
    %swap3A_387 = vector.shape_cast %convert_element_type3A_382 : vector<128xi32> to vector<1x128xi32>
    tpu.vector_store %arg3[%swap3A_383, %swap3A_384], %swap3A_387 {strides = array<i32>} : memref<1x2048xi32, #tpu.memory_space<vmem>>, vector<1x128xi32>,
    %reduce_sum3A_388 = arith.constant dense<0.000000e+00> : vector<64xf32>
    %reduce_sum3A_389 = vector.multi_reduction <add>, %slice3A_369, %reduce_sum3A_388 [0] : vector<128x64xf32> to vector<64xf32>
    %broadcast_in_dim3A_390 = vector.shape_cast %reduce_sum3A_389 : vector<64xf32> to vector<1x64xf32>
    %add3A_391 = arith.addf %add3A_368, %broadcast_in_dim3A_390 : vector<1x64xf32>
    %slice3A_392 = vector.extract_strided_slice %select_n3A_17 {offsets = [1920, 0], sizes = [128, 64], strides = [1, 1]} : vector<2048x64xf32> to vector<128x64xf32>
    %dot_general3A_393 = arith.constant dense<0.000000e+00> : vector<128x64xf32>
    %dot_general3A_394 = tpu.matmul %select_n3A_46, %slice3A_392, %dot_general3A_393 {dimension_numbers = #tpu.dot_dimension_numbers<[1], [0], [0], [1], [0, 0, 1, 1], [], []>, transpose_lhs_hint = false} : vector<128x128xf32>, vector<128x64xf32>, vector<128x64xf32> -> vector<128x64xf32>
    %add3A_395 = vector.broadcast %add3A_391 : vector<1x64xf32> to vector<128x64xf32>
    %add3A_396 = arith.addf %dot_general3A_394, %add3A_395 : vector<128x64xf32>
    %mul3A_397 = arith.mulf %add3A_396, %slice3A_392 : vector<128x64xf32>
    %reduce_sum3A_398 = arith.constant dense<0.000000e+00> : vector<128xf32>
    %reduce_sum3A_399 = vector.multi_reduction <add>, %mul3A_397, %reduce_sum3A_398 [1] : vector<128x64xf32> to vector<128xf32>
    %mul3A_400 = vector.broadcast %mul3A_37 : vector<1x64xf32> to vector<128x64xf32>
    %mul3A_401 = arith.mulf %slice3A_392, %mul3A_400 : vector<128x64xf32>
    %reduce_sum3A_402 = arith.constant dense<0.000000e+00> : vector<128xf32>
    %reduce_sum3A_403 = vector.multi_reduction <add>, %mul3A_401, %reduce_sum3A_402 [1] : vector<128x64xf32> to vector<128xf32>
    %add3A_404 = arith.addf %reduce_sum3A_403, %reduce_sum3A_399 : vector<128xf32>
    %convert_element_type3A_405 = arith.fptosi %add3A_404 : vector<128xf32> to vector<128xi32>
    %swap3A_406 = arith.constant 0 : index
    %swap3A_407 = arith.constant 1920 : index
    %swap3A_408 = vector.load %arg3[%swap3A_406, %swap3A_407] : memref<1x2048xi32, #tpu.memory_space<vmem>>, vector<1x128xi32>
    %swap3A_409 = vector.shape_cast %swap3A_408 : vector<1x128xi32> to vector<128xi32>
    %swap3A_410 = vector.shape_cast %convert_element_type3A_405 : vector<128xi32> to vector<1x128xi32>
    tpu.vector_store %arg3[%swap3A_406, %swap3A_407], %swap3A_410 {strides = array<i32>} : memref<1x2048xi32, #tpu.memory_space<vmem>>, vector<1x128xi32>,
    %iota3A_411 = tpu.iota {dimensions = array<i32: 0>} : vector<80x64xi32>
    %convert_element_type3A_412 = arith.sitofp %iota3A_411 : vector<80x64xi32> to vector<80x64xf32>
    %le3A_413 = vector.broadcast %dot_general3A_34 : vector<1x64xf32> to vector<80x64xf32>
    %le3A_414 = arith.cmpf ole, %le3A_413, %convert_element_type3A_412 : vector<80x64xf32>
    %jit3A_415 = arith.constant 1.000000e+00 : f32
    %jit3A_416 = arith.constant 0.000000e+00 : f32
    %broadcast_in_dim3A_417 = vector.broadcast %jit3A_415 : f32 to vector<80x64xf32>
    %broadcast_in_dim3A_418 = vector.broadcast %jit3A_416 : f32 to vector<80x64xf32>
    %select_n3A_419 = arith.select %le3A_414, %broadcast_in_dim3A_417, %broadcast_in_dim3A_418 : vector<80x64xi1>, vector<80x64xf32>
    %reduce_sum3A_420 = arith.constant dense<0.000000e+00> : vector<80xf32>
    %reduce_sum3A_421 = vector.multi_reduction <add>, %select_n3A_419, %reduce_sum3A_420 [1] : vector<80x64xf32> to vector<80xf32>
    %min3A = arith.constant 6.300000e+01 : f32
    %min3A_422 = vector.broadcast %min3A : f32 to vector<80xf32>
    %min3A_423 = arith.minimumf %reduce_sum3A_421, %min3A_422 : vector<80xf32>
    %convert_element_type3A_424 = arith.fptosi %min3A_423 : vector<80xf32> to vector<80xi32>
    %swap3A_425 = arith.constant 0 : index
    %swap3A_426 = arith.constant 0 : index
    %swap3A_427 = vector.load %arg2[%swap3A_425, %swap3A_426] : memref<1x80xi32, #tpu.memory_space<vmem>>, vector<1x80xi32>
    %swap3A_428 = vector.shape_cast %swap3A_427 : vector<1x80xi32> to vector<80xi32>
    %swap3A_429 = vector.shape_cast %convert_element_type3A_424 : vector<80xi32> to vector<1x80xi32>
    tpu.vector_store %arg2[%swap3A_425, %swap3A_426], %swap3A_429 {strides = array<i32>} : memref<1x80xi32, #tpu.memory_space<vmem>>, vector<1x80xi32>,
    return
  }
}

</mosaic_0001>

<sc_bundles>
// kernel: kernel.6.cloned.1.call-start
scs
__scs_entry_jumppad:
0x0: {  	(pc) =	sbr.rel $0x88, $3  }
0x1: {  	(tag) =	ssettag $0x0;
	lr =	simm.s32 $0x1  }
0x2: {  	[smem:$0x3F9C] =	sst lr;
	_ =	strace $0xD0000000  }
0x3: {  	_ = 	snop  }
0x4: {  	_ = 	snop  }
0x5: {  	_ = 	snop  }
0x6: {  	_ = 	snop  }
0x7: {  	_ = 	snop  }
__scs_overlays_trampoline_lowered:
0x8: {  	[smem:$0x3FAB] =	sst s0  }
0x9: {  	[smem:$0x3FAC] =	sst s1  }
0xa: {  	[smem:$0x3FAD] =	sst s2  }
0xb: {  	[smem:$0x3FAE] =	sst s3  }
0xc: {  	[smem:$0x3FAF] =	sst s4  }
0xd: {  	[smem:$0x3FB0] =	sst s5  }
0xe: {  	[smem:$0x3FB1] =	sst s6  }
0xf: {  	[smem:$0x3FB2] =	sst s7  }
0x10: {  	[smem:$0x3FB3] =	sst s8  }
0x11: {  	[smem:$0x3FB4] =	sst s9;
	s0 =	simm.s32 @!p0 $0x0  }
0x12: {  	s1 =	sld [smem:$0x3F9A];
	s0 =	simm.s32 @p0 $0x1  }
0x13: {  	[smem:$0x3FB5] =	sst s0;
	s0 =	simm.s32 @!p1 $0x0  }
0x14: {  	s2 =	sld [smem:$0x3F99];
	s0 =	simm.s32 @p1 $0x1  }
0x15: {  	[smem:$0x3FB6] =	sst s0;
	s0 =	simm.s32 @!p2 $0x0  }
0x16: {  	s3 =	sld [smem:$0x3FDB];
	s0 =	simm.s32 @p2 $0x1  }
0x17: {  	s4 =	simm.s32 $0x1BF5;
	[smem:$0x3FB8] =	sst s0  }
0x18: {  	s0 =	sld [smem:$0x3F9B];
	_ =	swait.ge [sflag:s4], $0x0  }
0x19: {  	s7 =	sld [smem:$0x3F9C]  }
0x1a: {  	s8 =	sadd.s32 $0xFFFFE003, lr  }
0x1b: {  	s9 =	sadd.s32 $0xFFFFFEF7, lr;
	s5 =	simm.s32 $0xFFFFFFFF;
	p2 =	slt.u32 s8, $0xFFFFF086  }
0x1c: {  	p1 =	slt.u32 s9, $0xF7A;
	s5 =	simm.s32 @!p2 $0x0  }
0x1d: {  	s5 =	simm.s32 @p1 $0x1;
	p0 =	seq.s32 s7, s2  }
0x1e: {  	s7 =	smul.u32 @!p0 $0xF7A, s2;
	p2 =	seq.s32 @!p0 s5, $0x0  }
0x1f: {  	s9 =	smul.u32 $0xF7A, s1;
	s8 =	simm.s32 @!p0 $0x1BF5;
	p2 =	por !p2, p0  }
0x20: {  	[sflag:s8] =	ssyncset.s32 @!p0 $0xFFFFF086;
	s6 =	sadd.s32 @!p0 s3, s7;
	s7 =	simm.s32 @!p0 $0x108  }
0x21: {  	s3 =	sadd.s32 s3, s9;
	s6 =	sadd.s32 @!p0 $0x88, s6;
	s7 =	simm.s32 @p2 $0x1082  }
0x22: {  	[simem:s7], [sflag:s8] =	dma.local @!p0 [hbm:s6], $0xF7A  }
0x23: {  	s9 =	sor.u32 $0xD0000000, s2;
	s6 =	simm.s32 $0x108;
	_ =	swait.ge @!p0 [sflag:s8], $0x0  }
0x24: {  	s3 =	sadd.s32 $0x88, s3;
	s6 =	simm.s32 @!p1 $0x1082;
	[sflag:s4] =	ssyncset.s32 $0xFFFFF086  }
0x25: {  	[simem:s6], [sflag:s4] =	dma.local [hbm:s3], $0xF7A  }
0x26: {  	[smem:$0x3F9C] =	sst s1;
	(tag) =	ssettag s2;
	_ =	strace s9  }
0x27: {  	s1 =	sld [smem:$0x3FAC]  }
0x28: {  	s2 =	sld [smem:$0x3FAD]  }
0x29: {  	s4 =	sld [smem:$0x3FAF]  }
0x2a: {  	p0 =	seq.s32 s5, $0x0;
	s5 =	sld [smem:$0x3FB0]  }
0x2b: {  	s6 =	sld [smem:$0x3FB1]  }
0x2c: {  	s7 =	sld [smem:$0x3FB2]  }
0x2d: {  	s3 =	simm.s32 $0x108;
	s8 =	sld [smem:$0x3FB3]  }
0x2e: {  	s3 =	simm.s32 @!p0 $0x1082;
	s9 =	sld [smem:$0x3FB4]  }
0x2f: {  	lr =	sadd.s32 s0, s3;
	s0 =	sld [smem:$0x3FAB]  }
0x30: {  	s3 =	sld [smem:$0x3FAE]  }
0x31: {  	[smem:$0x3FB7] =	sst s10  }
0x32: {  	s10 =	sld [smem:$0x3FB5];
	_ =	sdelay $0x3  }
0x33: {  	p0 =	seq.s32 s10, $0x1;
	s10 =	sld [smem:$0x3FB7];
	_ =	sdelay $0x3  }
0x34: {  	[smem:$0x3FB7] =	sst s10  }
0x35: {  	s10 =	sld [smem:$0x3FB6];
	_ =	sdelay $0x3  }
0x36: {  	p1 =	seq.s32 s10, $0x1;
	s10 =	sld [smem:$0x3FB7];
	_ =	sdelay $0x3  }
0x37: {  	[smem:$0x3FB7] =	sst s10  }
0x38: {  	s10 =	sld [smem:$0x3FB8]  }
0x39: {  	_ = 	snop;
	(pc) =	sbr.ind lr, $3  }
0x3a: {  	_ = 	snop  }
0x3b: {  	_ = 	snop  }
0x3c: {  	p2 =	seq.s32 s10, $0x1;
	s10 =	sld [smem:$0x3FB7]  }
0x3d: {  	_ =	shalt  }
0x3e: {  	_ =	shalt  }
0x3f: {  	_ =	shalt  }
0x40: {  	_ =	shalt  }
0x41: {  	_ =	shalt  }
0x42: {  	_ =	shalt  }
0x43: {  	_ =	shalt  }
0x44: {  	_ =	shalt  }
0x45: {  	_ =	shalt  }
0x46: {  	_ =	shalt  }
0x47: {  	_ =	shalt  }
0x48: {  	_ =	shalt  }
0x49: {  	_ =	shalt  }
0x4a: {  	_ =	shalt  }
0x4b: {  	_ =	shalt  }
0x4c: {  	_ =	shalt  }
0x4d: {  	_ =	shalt  }
0x4e: {  	_ =	shalt  }
0x4f: {  	_ =	shalt  }
0x50: {  	_ =	shalt  }
0x51: {  	_ =	shalt  }
0x52: {  	_ =	shalt  }
0x53: {  	_ =	shalt  }
0x54: {  	_ =	shalt  }
0x55: {  	_ =	shalt  }
0x56: {  	_ =	shalt  }
0x57: {  	_ =	shalt  }
0x58: {  	_ =	shalt  }
0x59: {  	_ =	shalt  }
0x5a: {  	_ =	shalt  }
0x5b: {  	_ =	shalt  }
0x5c: {  	_ =	shalt  }
0x5d: {  	_ =	shalt  }
0x5e: {  	_ =	shalt  }
0x5f: {  	_ =	shalt  }
0x60: {  	_ =	shalt  }
0x61: {  	_ =	shalt  }
0x62: {  	_ =	shalt  }
0x63: {  	_ =	shalt  }
0x64: {  	_ =	shalt  }
0x65: {  	_ =	shalt  }
0x66: {  	_ =	shalt  }
0x67: {  	_ =	shalt  }
0x68: {  	_ =	shalt  }
0x69: {  	_ =	shalt  }
0x6a: {  	_ =	shalt  }
0x6b: {  	_ =	shalt  }
0x6c: {  	_ =	shalt  }
0x6d: {  	_ =	shalt  }
0x6e: {  	_ =	shalt  }
0x6f: {  	_ =	shalt  }
0x70: {  	_ =	shalt  }
0x71: {  	_ =	shalt  }
0x72: {  	_ =	shalt  }
0x73: {  	_ =	shalt  }
0x74: {  	_ =	shalt  }
0x75: {  	_ =	shalt  }
0x76: {  	_ =	shalt  }
0x77: {  	_ =	shalt  }
0x78: {  	_ =	shalt  }
0x79: {  	_ =	shalt  }
0x7a: {  	_ =	shalt  }
0x7b: {  	_ =	shalt  }
0x7c: {  	_ =	shalt  }
0x7d: {  	_ =	shalt  }
0x7e: {  	_ =	shalt  }
0x7f: {  	_ =	shalt  }
0x80: {  	_ =	shalt  }
0x81: {  	_ =	shalt  }
0x82: {  	_ =	shalt  }
0x83: {  	_ =	shalt  }
0x84: {  	_ =	shalt  }
0x85: {  	_ =	shalt  }
0x86: {  	_ =	shalt  }
0x87: {  	_ =	shalt  }
.Lfunc_end0:
.L_simem_size_0:
called_computation_lowered:
.L_overlay_start_0:
0x88: {  	s2 =	sld [smem:$0x3FD9]  }
0x89: {  	s3 =	sld [smem:$0x3FFE];
	_ =	sdelay $0x1  }
0x8a: {  	s1 =	srdreg.scid  }
0x8b: {  	s0 =	sand.u32 $0x1, s1  }
0x8c: {  	s17 =	sshll.u32 s0, $0xA;
	s2 =	sadd.s32 s3, s2  }
0x8d: {  	s2 =	sadd.s32 s2, s17  }
0x8e: {  	[smem:$0x3FC3] =	sst s2  }
0x8f: {  	_ = 	snop  }
0x90: {  	s2 =	sld [smem:$0x3FC9];
	(tm) =	ssettm $0x1  }
0x91: {  	s18 =	sld [smem:$0x3FFB];
	_ =	sdelay $0x3  }
0x92: {  	_ =	strace s18  }
0x93: {  	s3 =	sld [smem:$0x3FFC];
	_ =	sdelay $0x3  }
0x94: {  	_ =	strace s3  }
0x95: {  	s3 =	sld [smem:$0x3FFD];
	_ =	sdelay $0x3  }
0x96: {  	_ =	strace s3  }
0x97: {  	_ =	strace $0x8FFFFFFF  }
0x98: {  	s19 =	sld [smem:$0x3FDB];
	_ =	sdelay $0x1  }
0x99: {  	s4 =	simm.s32 $_scs_section_size  }
0x9a: {  	s5 =	simm.s32 $_size__tile_overlayer_lowered;
	s6 =	simm.s32 $_tile_overlayer_lowered  }
0x9b: {  	s22 =	simm.s32 $0x1BFF;
	s21 =	sshll.u32 s6, $0x1;
	s3 =	sadd.s32 s4, s19  }
0x9c: {  	s7 =	simm.s32 $0x0;
	s20 =	sshll.u32 s5, $0x1;
	s5 =	sadd.s32 s21, s3  }
0x9d: {  	[timem:s7], [sflag:s22] =	dma.local [hbm:s5], s20  }
0x9e: {  	_ =	swait.ge [sflag:s22], s20  }
0x9f: {  	s4 =	ssub.s32 $0x0, s20;
	[sflag:s22] =	ssyncset.done $0x0  }
0xa0: {  	[sflag:s22] =	ssyncadd.s32 s4;
	_ =	sdelay $0x1  }
0xa1: {  	s23 =	simm.s32 $0x1B8B  }
0xa2: {  	_ =	swait.ge [sflag:s23], $0x1  }
0xa3: {  	[sflag:s23] =	ssyncset.done $0x0  }
0xa4: {  	s25 =	simm.s32 $0x1B8E;
	s24 =	sld [smem:$0x3FFE];
	[sflag:s23] =	ssyncadd.s32 $0xFFFFFFFF  }
0xa5: {  	s26 =	simm.s32 $execute0_lowered;
	[smem:$0x3FD2] =	sst s25  }
0xa6: {  	s5 =	sshll.u32 s26, $0x1;
	_ =	strace $0x80000046;
	[dreg:$0x1] =	wrdreg $0xFFFFFFFF  }
0xa7: {  	s28 =	simm.s32 $_size_execute0_lowered;
	s3 =	sadd.s32 s3, s5;
	[dreg:$0x0] =	wrdreg $0x0  }
0xa8: {  	s5 =	sshll.u32 s28, $0x1;
	[dreg:$0x2] =	wrdreg s3  }
0xa9: {  	[dreg:$0x3] =	wrdreg s5  }
0xaa: {  	[dreg:$0x4] =	wrdreg $0xC0  }
0xab: {  	_ =	task [dreg:s7], $0x5FFFF  }
0xac: {  	[dreg:$0x1] =	wrdreg $0xFFFFFFFF  }
0xad: {  	[dreg:$0x0] =	wrdreg $0x60  }
0xae: {  	[dreg:$0x2] =	wrdreg s2  }
0xaf: {  	[dreg:$0x3] =	wrdreg s24  }
0xb0: {  	[dreg:$0x4] =	wrdreg $0x9  }
0xb1: {  	_ =	task.clear_ibuf [dreg:s7], $0x5FFFF;
	_ =	strace $0x90000046  }
0xb2: {  	s29 =	simm.s32 $0x9;
	_ =	strace $0x80000048  }
0xb3: {  	_ =	swait.ge [sflag:s29], $0x1  }
0xb4: {  	[sflag:s29] =	ssyncadd.s32 $0xFFFFFFFF  }
0xb5: {  	_ =	strace $0x90000048  }
0xb6: {  	_ =	sfence  }
0xb7: {  	s30 =	sld [smem:$0x0];
	_ =	sdelay $0x2  }
0xb8: {  	s31 =	sshll.u32 s1, $0xD;
	s1 =	sshrl.u32 s1, $0x2  }
0xb9: {  	s3 =	sand.u32 $0x4000, s31;
	s1 =	sadd.s32 s1, s30  }
0xba: {  	s0 =	sor.u32 s3, s0;
	s1 =	sshll.u32 s1, $0x11  }
0xbb: {  	s0 =	sor.u32 s1, s0  }
0xbc: {  	s0 =	sadd.s32 $0x8F2B, s0  }
0xbd: {  	[sflag:s0] =	ssyncadd.remote.s32 $0x1  }
0xbe: {  	_ =	sfence.sel $0xFFFF  }
0xbf: {  	[dreg:$0x0] =	wrdreg $0xFFFFFFFF;
	(pc) =	sbr.abs _section_cstart, $3  }
0xc0: {  	[dreg:$0x1] =	wrdreg $0xFFFFFFFF  }
0xc1: {  	_ =	task.clear_ibuf [dreg:s7], $0x2FFFF;
	_ =	strace $0x9FFFFFFF  }
0xc2: {  	(tm) =	ssettm $0x7FFFFFFF  }
0xc3: {  	_ =	shalt  }
tec
execute0_lowered:
.L_overlay_start_1:
0x0: {  	(tag) =	ssettag $0x1  }
0x1: {  	s1 =	srdreg.scid;
	s3 =	rddreg [dreg:$0x0]  }
0x2: {  	s0 =	stileid.u32;
	s7 =	rddreg [dreg:$0x1];
	s18 =	simm.s32 $0x880  }
0x3: {  	s19 =	simm.s32 $0x1080;
	s20 =	simm.s32 $0x1880;
	s21 =	simm.s32 $0x2080  }
0x4: {  	s8 =	simm.s32 $0x2880;
	s22 =	simm.s32 $0x3080;
	s9 =	simm.s32 $0x3880  }
0x5: {  	s23 =	simm.s32 $0x4080;
	s24 =	simm.s32 $0x4880;
	s1 =	sand.u32 $0x1, s1  }
0x6: {  	s10 =	simm.s32 $0x1;
	s2 =	sshll.u32 s0, $0x7;
	s4 =	sshll.u32 s1, $0x6  }
0x7: {  	s25 =	simm.s32 $0x5080;
	s4 =	sor.u32 s4, s2;
	s2 =	simm.s32 $0x0  }
0x8: {  	s11 =	simm.s32 $0x2;
	s26 =	simm.s32 $0x5880;
	[smem:$0x7FF] =	sst s2  }
0x9: {  	s13 =	simm.s32 $0x6880;
	_ =	strace $0x80000047;
	[dreg:$0x5] =	wrdreg s18  }
0xa: {  	s14 =	simm.s32 $0x7080;
	s15 =	simm.s32 $0x7880;
	[dreg:$0x6] =	wrdreg s19  }
0xb: {  	s16 =	simm.s32 $0x8080;
	s28 =	simm.s32 $0xD880;
	[dreg:$0x7] =	wrdreg s20  }
0xc: {  	s29 =	simm.s32 $0xE080;
	s30 =	simm.s32 $0xE880;
	[dreg:$0x8] =	wrdreg s21  }
0xd: {  	s31 =	simm.s32 $0xF080;
	s1 =	ssub.s32 $0x2, s1;
	[dreg:$0x9] =	wrdreg s8  }
0xe: {  	s6 =	sshrl.u32 s1, $0x1;
	s5 =	sshrl.u32 s4, $0x3;
	[dreg:$0xa] =	wrdreg s22  }
0xf: {  	s4 =	sshll.u32 s4, $0x7;
	s1 =	ssub.s32 s1, s6;
	[dreg:$0xb] =	wrdreg s9  }
0x10: {  	s6 =	sadd.s32 $0x1400, s7;
	s5 =	sadd.s32 s5, s7;
	[dreg:$0xc] =	wrdreg s23  }
0x11: {  	s3 =	sadd.s32 s3, s4;
	s4 =	sadd.s32 $0x1200, s7;
	[dreg:$0xd] =	wrdreg s24  }
0x12: {  	s8 =	smax.u32 s1, $0x1;
	s9 =	simm.s32 $0x80;
	[dreg:$0xe] =	wrdreg s25  }
0x13: {  	[dreg:$0xf] =	wrdreg s26;
	s18 =	simm.s32 $0x9080;
	s19 =	simm.s32 $0x9880  }
0x14: {  	s20 =	simm.s32 $0xA080;
	s21 =	simm.s32 $0xA880;
	s22 =	simm.s32 $0xB080  }
0x15: {  	s23 =	simm.s32 $0xB880;
	s24 =	simm.s32 $0xC080;
	s5 =	sadd.s32 $0x1000, s5  }
0x16: {  	v2 =	vlaneseq.u32;
	s25 =	simm.s32 $0xC880;
	s17 =	sadd.s32 $0x1000, s3;
	[dreg:$0x3] =	wrdreg s5  }
0x17: {  	vm0 =	vmmov $0xffff;
	v1 =	vshrl.u32 v2, $0x3;
	s26 =	simm.s32 $0xD080;
	s1 =	simm.s32 $0xF880;
	[dreg:$0x4] =	wrdreg s17  }
0x18: {  	v0 =	vand.u32 $0x7, v2;
	v2 =	vor.u32 $0x8, v2;
	v1 =	vmul.u32 $0x8, v1;
	s5 =	sadd.s32 $0x1300, s7;
	s7 =	sadd.s32 $0x1500, s7;
	s17 =	simm.s32 $0x8880  }
.LBB2_1:
0x19: {  	s0 =	rddreg [dreg:$0x3]  }
0x1a: {  	[tilespmem:s2], [sflag:$0x1] =	stream.linear.gather [hbm4b:s0+s2], $0x40, $0x38;
	[tilespmem:$0x10080] =	vst v63  }
0x1b: {  	_ = 	snop  }
0x1c: {  	[tilespmem:s9], [sflag:$0x2] =	stream.linear.gather [hbm4b:s3+s2], $0x8000, $0x38;
	[tilespmem:$0x10080] =	vst v63  }
0x1d: {  	_ =	swait.ge [sflag:s10], $0x40  }
0x1e: {  	[sflag:s10] =	ssyncset.done $0x0  }
0x1f: {  	[sflag:s10] =	ssyncadd.s32 $0xFFFFFFC0  }
0x20: {  	_ =	swait.ge [sflag:s11], $0x8000  }
0x21: {  	[sflag:s11] =	ssyncset.done $0x0  }
0x22: {  	[sflag:s11] =	ssyncadd.s32 $0xFFFF8000  }
0x23: {  	v3 =	vld [tilespmem:$0x0];
	_ =	sdelay $0x4  }
0x24: {  	v4 =	vshll.u32 v3, $0x3  }
0x25: {  	v3 =	vand.u32 $0x7, v3;
	v4 =	vand.u32 $0xFFFFFFC0, v4  }
0x26: {  	v3 =	vor.u32 v3, v4  }
0x27: {  	v4 =	vperm.xlane v3, v0;
	_ =	sdelay $0x1  }
0x28: {  	v4 =	vadd.s32 v1, v4;
	_ =	sdelay $0x4  }
0x29: {  	[hbm4b:s4+s2] =	stream.indirect_vreg.scatter [tilespmem:s9], [sflag:$0x1], $0x80, v4, vm0, $0xb8;
	[tilespmem:$0x10080] =	vst v63  }
0x2a: {  	s0 =	rddreg [dreg:$0x5];
	v3 =	vperm.xlane v3, v2  }
0x2b: {  	[hbm4b:s5+s2] =	stream.indirect_vreg.scatter [tilespmem:s0], [sflag:$0x1], $0x80, v4, vm0, $0xb8;
	[tilespmem:$0x10080] =	vst v63  }
0x2c: {  	s12 =	rddreg [dreg:$0x6];
	v3 =	vadd.s32 v1, v3  }
0x2d: {  	[hbm4b:s6+s2] =	stream.indirect_vreg.scatter [tilespmem:s12], [sflag:$0x1], $0x80, v4, vm0, $0xb8;
	[tilespmem:$0x10080] =	vst v63  }
0x2e: {  	s0 =	rddreg [dreg:$0x7]  }
0x2f: {  	[hbm4b:s7+s2] =	stream.indirect_vreg.scatter [tilespmem:s0], [sflag:$0x1], $0x80, v4, vm0, $0xb8;
	[tilespmem:$0x10080] =	vst v63  }
0x30: {  	s12 =	rddreg [dreg:$0x8]  }
0x31: {  	[hbm4b:s4+s2] =	stream.indirect_vreg.scatter [tilespmem:s12], [sflag:$0x1], $0x80, v3, vm0, $0xb8;
	[tilespmem:$0x10080] =	vst v63  }
0x32: {  	s0 =	rddreg [dreg:$0x9]  }
0x33: {  	[hbm4b:s5+s2] =	stream.indirect_vreg.scatter [tilespmem:s0], [sflag:$0x1], $0x80, v3, vm0, $0xb8;
	[tilespmem:$0x10080] =	vst v63  }
0x34: {  	s12 =	rddreg [dreg:$0xa]  }
0x35: {  	[hbm4b:s6+s2] =	stream.indirect_vreg.scatter [tilespmem:s12], [sflag:$0x1], $0x80, v3, vm0, $0xb8;
	[tilespmem:$0x10080] =	vst v63  }
0x36: {  	s0 =	rddreg [dreg:$0xb]  }
0x37: {  	[hbm4b:s7+s2] =	stream.indirect_vreg.scatter [tilespmem:s0], [sflag:$0x1], $0x80, v3, vm0, $0xb8;
	[tilespmem:$0x10080] =	vst v63  }
0x38: {  	v3 =	vld [tilespmem:$0x10];
	_ =	sdelay $0x4  }
0x39: {  	v61 =	vshll.u32 v3, $0x3  }
0x3a: {  	v3 =	vand.u32 $0x7, v3;
	v4 =	vand.u32 $0xFFFFFFC0, v61  }
0x3b: {  	v3 =	vor.u32 v3, v4  }
0x3c: {  	v4 =	vperm.xlane v3, v0;
	_ =	sdelay $0x1  }
0x3d: {  	v4 =	vadd.s32 v1, v4;
	_ =	sdelay $0x3  }
0x3e: {  	s0 =	rddreg [dreg:$0xc]  }
0x3f: {  	[hbm4b:s4+s2] =	stream.indirect_vreg.scatter [tilespmem:s0], [sflag:$0x1], $0x80, v4, vm0, $0xb8;
	[tilespmem:$0x10080] =	vst v63  }
0x40: {  	s12 =	rddreg [dreg:$0xd];
	v3 =	vperm.xlane v3, v2  }
0x41: {  	[hbm4b:s5+s2] =	stream.indirect_vreg.scatter [tilespmem:s12], [sflag:$0x1], $0x80, v4, vm0, $0xb8;
	[tilespmem:$0x10080] =	vst v63  }
0x42: {  	v3 =	vadd.s32 v1, v3;
	s0 =	rddreg [dreg:$0xe]  }
0x43: {  	[hbm4b:s6+s2] =	stream.indirect_vreg.scatter [tilespmem:s0], [sflag:$0x1], $0x80, v4, vm0, $0xb8;
	[tilespmem:$0x10080] =	vst v63  }
0x44: {  	s12 =	rddreg [dreg:$0xf]  }
0x45: {  	[hbm4b:s7+s2] =	stream.indirect_vreg.scatter [tilespmem:s12], [sflag:$0x1], $0x80, v4, vm0, $0xb8;
	[tilespmem:$0x10080] =	vst v63  }
0x46: {  	s12 =	simm.s32 $0x6080  }
0x47: {  	[hbm4b:s4+s2] =	stream.indirect_vreg.scatter [tilespmem:s12], [sflag:$0x1], $0x80, v3, vm0, $0xb8;
	[tilespmem:$0x10080] =	vst v63  }
0x48: {  	_ = 	snop  }
0x49: {  	[hbm4b:s5+s2] =	stream.indirect_vreg.scatter [tilespmem:s13], [sflag:$0x1], $0x80, v3, vm0, $0xb8;
	[tilespmem:$0x10080] =	vst v63  }
0x4a: {  	_ = 	snop  }
0x4b: {  	[hbm4b:s6+s2] =	stream.indirect_vreg.scatter [tilespmem:s14], [sflag:$0x1], $0x80, v3, vm0, $0xb8;
	[tilespmem:$0x10080] =	vst v63  }
0x4c: {  	_ = 	snop  }
0x4d: {  	[hbm4b:s7+s2] =	stream.indirect_vreg.scatter [tilespmem:s15], [sflag:$0x1], $0x80, v3, vm0, $0xb8;
	[tilespmem:$0x10080] =	vst v63  }
0x4e: {  	s12 =	rddreg [dreg:$0x4]  }
0x4f: {  	[tilespmem:s16], [sflag:$0x2] =	stream.linear.gather [hbm4b:s12+s2], $0x8000, $0x38;
	[tilespmem:$0x10080] =	vst v63  }
0x50: {  	_ =	swait.ge [sflag:s11], $0x8000  }
0x51: {  	[sflag:s11] =	ssyncset.done $0x0  }
0x52: {  	[sflag:s11] =	ssyncadd.s32 $0xFFFF8000  }
0x53: {  	v3 =	vld [tilespmem:$0x20];
	_ =	sdelay $0x4  }
0x54: {  	v62 =	vshll.u32 v3, $0x3  }
0x55: {  	v3 =	vand.u32 $0x7, v3;
	v4 =	vand.u32 $0xFFFFFFC0, v62  }
0x56: {  	v3 =	vor.u32 v3, v4  }
0x57: {  	v4 =	vperm.xlane v3, v0;
	_ =	sdelay $0x1  }
0x58: {  	v4 =	vadd.s32 v1, v4;
	_ =	sdelay $0x4  }
0x59: {  	[hbm4b:s4+s2] =	stream.indirect_vreg.scatter [tilespmem:s16], [sflag:$0x1], $0x80, v4, vm0, $0xb8;
	[tilespmem:$0x10080] =	vst v63  }
0x5a: {  	v3 =	vperm.xlane v3, v2  }
0x5b: {  	[hbm4b:s5+s2] =	stream.indirect_vreg.scatter [tilespmem:s17], [sflag:$0x1], $0x80, v4, vm0, $0xb8;
	[tilespmem:$0x10080] =	vst v63  }
0x5c: {  	v3 =	vadd.s32 v1, v3  }
0x5d: {  	[hbm4b:s6+s2] =	stream.indirect_vreg.scatter [tilespmem:s18], [sflag:$0x1], $0x80, v4, vm0, $0xb8;
	[tilespmem:$0x10080] =	vst v63  }
0x5e: {  	_ = 	snop  }
0x5f: {  	[hbm4b:s7+s2] =	stream.indirect_vreg.scatter [tilespmem:s19], [sflag:$0x1], $0x80, v4, vm0, $0xb8;
	[tilespmem:$0x10080] =	vst v63  }
0x60: {  	_ = 	snop  }
0x61: {  	[hbm4b:s4+s2] =	stream.indirect_vreg.scatter [tilespmem:s20], [sflag:$0x1], $0x80, v3, vm0, $0xb8;
	[tilespmem:$0x10080] =	vst v63  }
0x62: {  	_ = 	snop  }
0x63: {  	[hbm4b:s5+s2] =	stream.indirect_vreg.scatter [tilespmem:s21], [sflag:$0x1], $0x80, v3, vm0, $0xb8;
	[tilespmem:$0x10080] =	vst v63  }
0x64: {  	_ = 	snop  }
0x65: {  	[hbm4b:s6+s2] =	stream.indirect_vreg.scatter [tilespmem:s22], [sflag:$0x1], $0x80, v3, vm0, $0xb8;
	[tilespmem:$0x10080] =	vst v63  }
0x66: {  	_ = 	snop  }
0x67: {  	[hbm4b:s7+s2] =	stream.indirect_vreg.scatter [tilespmem:s23], [sflag:$0x1], $0x80, v3, vm0, $0xb8;
	[tilespmem:$0x10080] =	vst v63  }
0x68: {  	v3 =	vld [tilespmem:$0x30];
	_ =	sdelay $0x4  }
0x69: {  	v63 =	vshll.u32 v3, $0x3  }
0x6a: {  	v3 =	vand.u32 $0x7, v3;
	v4 =	vand.u32 $0xFFFFFFC0, v63  }
0x6b: {  	v3 =	vor.u32 v3, v4  }
0x6c: {  	v4 =	vperm.xlane v3, v0;
	_ =	sdelay $0x1  }
0x6d: {  	v4 =	vadd.s32 v1, v4;
	_ =	sdelay $0x4  }
0x6e: {  	[hbm4b:s4+s2] =	stream.indirect_vreg.scatter [tilespmem:s24], [sflag:$0x1], $0x80, v4, vm0, $0xb8;
	[tilespmem:$0x10080] =	vst v63  }
0x6f: {  	v3 =	vperm.xlane v3, v2  }
0x70: {  	[hbm4b:s5+s2] =	stream.indirect_vreg.scatter [tilespmem:s25], [sflag:$0x1], $0x80, v4, vm0, $0xb8;
	[tilespmem:$0x10080] =	vst v63  }
0x71: {  	v3 =	vadd.s32 v1, v3  }
0x72: {  	[hbm4b:s6+s2] =	stream.indirect_vreg.scatter [tilespmem:s26], [sflag:$0x1], $0x80, v4, vm0, $0xb8;
	[tilespmem:$0x10080] =	vst v63  }
0x73: {  	_ = 	snop  }
0x74: {  	[hbm4b:s7+s2] =	stream.indirect_vreg.scatter [tilespmem:s28], [sflag:$0x1], $0x80, v4, vm0, $0xb8;
	[tilespmem:$0x10080] =	vst v63  }
0x75: {  	_ = 	snop  }
0x76: {  	[hbm4b:s4+s2] =	stream.indirect_vreg.scatter [tilespmem:s29], [sflag:$0x1], $0x80, v3, vm0, $0xb8;
	[tilespmem:$0x10080] =	vst v63  }
0x77: {  	_ = 	snop  }
0x78: {  	[hbm4b:s5+s2] =	stream.indirect_vreg.scatter [tilespmem:s30], [sflag:$0x1], $0x80, v3, vm0, $0xb8;
	[tilespmem:$0x10080] =	vst v63  }
0x79: {  	_ = 	snop  }
0x7a: {  	[hbm4b:s6+s2] =	stream.indirect_vreg.scatter [tilespmem:s31], [sflag:$0x1], $0x80, v3, vm0, $0xb8;
	[tilespmem:$0x10080] =	vst v63  }
0x7b: {  	_ = 	snop  }
0x7c: {  	[hbm4b:s7+s2] =	stream.indirect_vreg.scatter [tilespmem:s1], [sflag:$0x1], $0x80, v3, vm0, $0xb8;
	[tilespmem:$0x10080] =	vst v63  }
0x7d: {  	p0 =	sne.s32 s8, $0x1;
	_ =	swait.ge [sflag:s10], $0x8000  }
.Ltmp0:
0x7e: {  	[sflag:s10] =	ssyncset.done $0x0;
	(pc) =	sbr.rel @p0 .LBB2_1-.Ltmp0, $4  }
0x7f: {  	[sflag:s10] =	ssyncadd.s32 $0xFFFF8000  }
0x80: {  	_ =	swait.ge [sflag:s10], $0x8000  }
0x81: {  	[sflag:s10] =	ssyncset.done $0x0  }
0x82: {  	s8 =	sadd.s32 $0xFFFFFFFF, s8;
	[sflag:s10] =	ssyncadd.s32 $0xFFFF8000  }
0x83: {  	_ =	sfence.sel $0x180000  }
0x84: {  	[bflag:$0x0] =	sbarrier.arrive $0xFFFF  }
0x85: {  	_ =	strace $0x90000047  }
0x86: {  	s0 =	stileid.u32;
	[bflag:$0x2] =	sbarrier.arrive $0xFFFF  }
0x87: {  	p0 =	sne.s32 s0, $0x0;
	s0 =	rddreg [dreg:$0x2]  }
0x88: {  	s0 =	sadd.s32 @!p0 $0x100000, s0  }
0x89: {  	[sflag:s0] =	ssyncadd.tile.s32 @!p0 $0x1;
	_ =	shalt  }
.Lfunc_end2:
_tile_overlayer_lowered:
.L_overlay_start_2:
0x8a: {  	(tag) =	ssettag $0x2  }
0x8b: {  	s0 =	rddreg [dreg:$0x0];
	s2 =	stileid.u32  }
0x8c: {  	s1 =	rddreg [dreg:$0x1];
	p0 =	sne.s32 s2, $0x0  }
0x8d: {  	s3 =	rddreg [dreg:$0x2];
	[bflag:$0x3] =	sbarrier.arrive $0xFFFF;
	s2 =	simm.s32 @!p0 $0x1C03  }
0x8e: {  	[timem:s3], [sflag:s2] =	dma.local @!p0 [hbm:s0], s1  }
0x8f: {  	s0 =	simm.s32 @!p0 $0x3  }
0x90: {  	_ =	swait.ge @!p0 [sflag:s0], s1  }
0x91: {  	s1 =	ssub.s32 @!p0 $0x0, s1;
	[sflag:s0] =	ssyncset.done @!p0 $0x0  }
0x92: {  	[sflag:s0] =	ssyncadd.s32 @!p0 s1  }
0x93: {  	[bflag:$0x3] =	sbarrier.arrive $0xFFFF  }
0x94: {  	_ =	shalt  }

// kernel: kernel.9.cloned.1.call-start
scs
__scs_entry_jumppad:
0x0: {  	(pc) =	sbr.rel $0x88, $3  }
0x1: {  	(tag) =	ssettag $0x0;
	lr =	simm.s32 $0x1  }
0x2: {  	[smem:$0x3F9C] =	sst lr;
	_ =	strace $0xD0000000  }
0x3: {  	_ = 	snop  }
0x4: {  	_ = 	snop  }
0x5: {  	_ = 	snop  }
0x6: {  	_ = 	snop  }
0x7: {  	_ = 	snop  }
__scs_overlays_trampoline_lowered:
0x8: {  	[smem:$0x3FAB] =	sst s0  }
0x9: {  	[smem:$0x3FAC] =	sst s1  }
0xa: {  	[smem:$0x3FAD] =	sst s2  }
0xb: {  	[smem:$0x3FAE] =	sst s3  }
0xc: {  	[smem:$0x3FAF] =	sst s4  }
0xd: {  	[smem:$0x3FB0] =	sst s5  }
0xe: {  	[smem:$0x3FB1] =	sst s6  }
0xf: {  	[smem:$0x3FB2] =	sst s7  }
0x10: {  	[smem:$0x3FB3] =	sst s8  }
0x11: {  	[smem:$0x3FB4] =	sst s9;
	s0 =	simm.s32 @!p0 $0x0  }
0x12: {  	s1 =	sld [smem:$0x3F9A];
	s0 =	simm.s32 @p0 $0x1  }
0x13: {  	[smem:$0x3FB5] =	sst s0;
	s0 =	simm.s32 @!p1 $0x0  }
0x14: {  	s2 =	sld [smem:$0x3F99];
	s0 =	simm.s32 @p1 $0x1  }
0x15: {  	[smem:$0x3FB6] =	sst s0;
	s0 =	simm.s32 @!p2 $0x0  }
0x16: {  	s3 =	sld [smem:$0x3FDB];
	s0 =	simm.s32 @p2 $0x1  }
0x17: {  	s4 =	simm.s32 $0x1BF5;
	[smem:$0x3FB8] =	sst s0  }
0x18: {  	s0 =	sld [smem:$0x3F9B];
	_ =	swait.ge [sflag:s4], $0x0  }
0x19: {  	s7 =	sld [smem:$0x3F9C]  }
0x1a: {  	s8 =	sadd.s32 $0xFFFFE003, lr  }
0x1b: {  	s9 =	sadd.s32 $0xFFFFFEF7, lr;
	s5 =	simm.s32 $0xFFFFFFFF;
	p2 =	slt.u32 s8, $0xFFFFF086  }
0x1c: {  	p1 =	slt.u32 s9, $0xF7A;
	s5 =	simm.s32 @!p2 $0x0  }
0x1d: {  	s5 =	simm.s32 @p1 $0x1;
	p0 =	seq.s32 s7, s2  }
0x1e: {  	s7 =	smul.u32 @!p0 $0xF7A, s2;
	p2 =	seq.s32 @!p0 s5, $0x0  }
0x1f: {  	s9 =	smul.u32 $0xF7A, s1;
	s8 =	simm.s32 @!p0 $0x1BF5;
	p2 =	por !p2, p0  }
0x20: {  	[sflag:s8] =	ssyncset.s32 @!p0 $0xFFFFF086;
	s6 =	sadd.s32 @!p0 s3, s7;
	s7 =	simm.s32 @!p0 $0x108  }
0x21: {  	s3 =	sadd.s32 s3, s9;
	s6 =	sadd.s32 @!p0 $0x88, s6;
	s7 =	simm.s32 @p2 $0x1082  }
0x22: {  	[simem:s7], [sflag:s8] =	dma.local @!p0 [hbm:s6], $0xF7A  }
0x23: {  	s9 =	sor.u32 $0xD0000000, s2;
	s6 =	simm.s32 $0x108;
	_ =	swait.ge @!p0 [sflag:s8], $0x0  }
0x24: {  	s3 =	sadd.s32 $0x88, s3;
	s6 =	simm.s32 @!p1 $0x1082;
	[sflag:s4] =	ssyncset.s32 $0xFFFFF086  }
0x25: {  	[simem:s6], [sflag:s4] =	dma.local [hbm:s3], $0xF7A  }
0x26: {  	[smem:$0x3F9C] =	sst s1;
	(tag) =	ssettag s2;
	_ =	strace s9  }
0x27: {  	s1 =	sld [smem:$0x3FAC]  }
0x28: {  	s2 =	sld [smem:$0x3FAD]  }
0x29: {  	s4 =	sld [smem:$0x3FAF]  }
0x2a: {  	p0 =	seq.s32 s5, $0x0;
	s5 =	sld [smem:$0x3FB0]  }
0x2b: {  	s6 =	sld [smem:$0x3FB1]  }
0x2c: {  	s7 =	sld [smem:$0x3FB2]  }
0x2d: {  	s3 =	simm.s32 $0x108;
	s8 =	sld [smem:$0x3FB3]  }
0x2e: {  	s3 =	simm.s32 @!p0 $0x1082;
	s9 =	sld [smem:$0x3FB4]  }
0x2f: {  	lr =	sadd.s32 s0, s3;
	s0 =	sld [smem:$0x3FAB]  }
0x30: {  	s3 =	sld [smem:$0x3FAE]  }
0x31: {  	[smem:$0x3FB7] =	sst s10  }
0x32: {  	s10 =	sld [smem:$0x3FB5];
	_ =	sdelay $0x3  }
0x33: {  	p0 =	seq.s32 s10, $0x1;
	s10 =	sld [smem:$0x3FB7];
	_ =	sdelay $0x3  }
0x34: {  	[smem:$0x3FB7] =	sst s10  }
0x35: {  	s10 =	sld [smem:$0x3FB6];
	_ =	sdelay $0x3  }
0x36: {  	p1 =	seq.s32 s10, $0x1;
	s10 =	sld [smem:$0x3FB7];
	_ =	sdelay $0x3  }
0x37: {  	[smem:$0x3FB7] =	sst s10  }
0x38: {  	s10 =	sld [smem:$0x3FB8]  }
0x39: {  	_ = 	snop;
	(pc) =	sbr.ind lr, $3  }
0x3a: {  	_ = 	snop  }
0x3b: {  	_ = 	snop  }
0x3c: {  	p2 =	seq.s32 s10, $0x1;
	s10 =	sld [smem:$0x3FB7]  }
0x3d: {  	_ =	shalt  }
0x3e: {  	_ =	shalt  }
0x3f: {  	_ =	shalt  }
0x40: {  	_ =	shalt  }
0x41: {  	_ =	shalt  }
0x42: {  	_ =	shalt  }
0x43: {  	_ =	shalt  }
0x44: {  	_ =	shalt  }
0x45: {  	_ =	shalt  }
0x46: {  	_ =	shalt  }
0x47: {  	_ =	shalt  }
0x48: {  	_ =	shalt  }
0x49: {  	_ =	shalt  }
0x4a: {  	_ =	shalt  }
0x4b: {  	_ =	shalt  }
0x4c: {  	_ =	shalt  }
0x4d: {  	_ =	shalt  }
0x4e: {  	_ =	shalt  }
0x4f: {  	_ =	shalt  }
0x50: {  	_ =	shalt  }
0x51: {  	_ =	shalt  }
0x52: {  	_ =	shalt  }
0x53: {  	_ =	shalt  }
0x54: {  	_ =	shalt  }
0x55: {  	_ =	shalt  }
0x56: {  	_ =	shalt  }
0x57: {  	_ =	shalt  }
0x58: {  	_ =	shalt  }
0x59: {  	_ =	shalt  }
0x5a: {  	_ =	shalt  }
0x5b: {  	_ =	shalt  }
0x5c: {  	_ =	shalt  }
0x5d: {  	_ =	shalt  }
0x5e: {  	_ =	shalt  }
0x5f: {  	_ =	shalt  }
0x60: {  	_ =	shalt  }
0x61: {  	_ =	shalt  }
0x62: {  	_ =	shalt  }
0x63: {  	_ =	shalt  }
0x64: {  	_ =	shalt  }
0x65: {  	_ =	shalt  }
0x66: {  	_ =	shalt  }
0x67: {  	_ =	shalt  }
0x68: {  	_ =	shalt  }
0x69: {  	_ =	shalt  }
0x6a: {  	_ =	shalt  }
0x6b: {  	_ =	shalt  }
0x6c: {  	_ =	shalt  }
0x6d: {  	_ =	shalt  }
0x6e: {  	_ =	shalt  }
0x6f: {  	_ =	shalt  }
0x70: {  	_ =	shalt  }
0x71: {  	_ =	shalt  }
0x72: {  	_ =	shalt  }
0x73: {  	_ =	shalt  }
0x74: {  	_ =	shalt  }
0x75: {  	_ =	shalt  }
0x76: {  	_ =	shalt  }
0x77: {  	_ =	shalt  }
0x78: {  	_ =	shalt  }
0x79: {  	_ =	shalt  }
0x7a: {  	_ =	shalt  }
0x7b: {  	_ =	shalt  }
0x7c: {  	_ =	shalt  }
0x7d: {  	_ =	shalt  }
0x7e: {  	_ =	shalt  }
0x7f: {  	_ =	shalt  }
0x80: {  	_ =	shalt  }
0x81: {  	_ =	shalt  }
0x82: {  	_ =	shalt  }
0x83: {  	_ =	shalt  }
0x84: {  	_ =	shalt  }
0x85: {  	_ =	shalt  }
0x86: {  	_ =	shalt  }
0x87: {  	_ =	shalt  }
.Lfunc_end0:
.L_simem_size_0:
called_computation.1_lowered:
.L_overlay_start_0:
0x88: {  	s2 =	sld [smem:$0x3FD9]  }
0x89: {  	s3 =	sld [smem:$0x3FFE];
	_ =	sdelay $0x1  }
0x8a: {  	s1 =	srdreg.scid  }
0x8b: {  	s0 =	sand.u32 $0x1, s1  }
0x8c: {  	s17 =	sshll.u32 s0, $0xA;
	s2 =	sadd.s32 s3, s2  }
0x8d: {  	s2 =	sadd.s32 s2, s17  }
0x8e: {  	[smem:$0x3FC3] =	sst s2  }
0x8f: {  	_ = 	snop  }
0x90: {  	s2 =	sld [smem:$0x3FD0];
	(tm) =	ssettm $0x1  }
0x91: {  	s18 =	sld [smem:$0x3FFB];
	_ =	sdelay $0x3  }
0x92: {  	_ =	strace s18  }
0x93: {  	s3 =	sld [smem:$0x3FFC];
	_ =	sdelay $0x3  }
0x94: {  	_ =	strace s3  }
0x95: {  	s3 =	sld [smem:$0x3FFD];
	_ =	sdelay $0x3  }
0x96: {  	_ =	strace s3  }
0x97: {  	_ =	strace $0x8FFFFFFF  }
0x98: {  	s19 =	sld [smem:$0x3FDB];
	_ =	sdelay $0x1  }
0x99: {  	s4 =	simm.s32 $_scs_section_size  }
0x9a: {  	s5 =	simm.s32 $_size__tile_overlayer_lowered;
	s6 =	simm.s32 $_tile_overlayer_lowered  }
0x9b: {  	s22 =	simm.s32 $0x1BFF;
	s21 =	sshll.u32 s6, $0x1;
	s3 =	sadd.s32 s4, s19  }
0x9c: {  	s7 =	simm.s32 $0x0;
	s20 =	sshll.u32 s5, $0x1;
	s5 =	sadd.s32 s21, s3  }
0x9d: {  	[timem:s7], [sflag:s22] =	dma.local [hbm:s5], s20  }
0x9e: {  	_ =	swait.ge [sflag:s22], s20  }
0x9f: {  	s4 =	ssub.s32 $0x0, s20;
	[sflag:s22] =	ssyncset.done $0x0  }
0xa0: {  	[sflag:s22] =	ssyncadd.s32 s4;
	_ =	sdelay $0x1  }
0xa1: {  	s23 =	simm.s32 $0x1B8B  }
0xa2: {  	_ =	swait.ge [sflag:s23], $0x1  }
0xa3: {  	[sflag:s23] =	ssyncset.done $0x0  }
0xa4: {  	s25 =	simm.s32 $0x1B8E;
	s24 =	sld [smem:$0x3FFE];
	[sflag:s23] =	ssyncadd.s32 $0xFFFFFFFF  }
0xa5: {  	s26 =	simm.s32 $execute0_lowered;
	[smem:$0x3FD2] =	sst s25  }
0xa6: {  	s5 =	sshll.u32 s26, $0x1;
	_ =	strace $0x80000049;
	[dreg:$0x1] =	wrdreg $0xFFFFFFFF  }
0xa7: {  	s28 =	simm.s32 $_size_execute0_lowered;
	s3 =	sadd.s32 s3, s5;
	[dreg:$0x0] =	wrdreg $0x0  }
0xa8: {  	s5 =	sshll.u32 s28, $0x1;
	[dreg:$0x2] =	wrdreg s3  }
0xa9: {  	[dreg:$0x3] =	wrdreg s5  }
0xaa: {  	[dreg:$0x4] =	wrdreg $0xC0  }
0xab: {  	_ =	task [dreg:s7], $0x5FFFF  }
0xac: {  	[dreg:$0x1] =	wrdreg $0xFFFFFFFF  }
0xad: {  	[dreg:$0x0] =	wrdreg $0x60  }
0xae: {  	[dreg:$0x2] =	wrdreg s24  }
0xaf: {  	[dreg:$0x3] =	wrdreg s2  }
0xb0: {  	[dreg:$0x4] =	wrdreg $0x9  }
0xb1: {  	_ =	task.clear_ibuf [dreg:s7], $0x5FFFF;
	_ =	strace $0x90000049  }
0xb2: {  	s29 =	simm.s32 $0x9;
	_ =	strace $0x8000004B  }
0xb3: {  	_ =	swait.ge [sflag:s29], $0x1  }
0xb4: {  	[sflag:s29] =	ssyncadd.s32 $0xFFFFFFFF  }
0xb5: {  	_ =	strace $0x9000004B  }
0xb6: {  	_ =	sfence  }
0xb7: {  	s30 =	sld [smem:$0x0];
	_ =	sdelay $0x2  }
0xb8: {  	s31 =	sshll.u32 s1, $0xD;
	s1 =	sshrl.u32 s1, $0x2  }
0xb9: {  	s3 =	sand.u32 $0x4000, s31;
	s1 =	sadd.s32 s1, s30  }
0xba: {  	s0 =	sor.u32 s3, s0;
	s1 =	sshll.u32 s1, $0x11  }
0xbb: {  	s0 =	sor.u32 s1, s0  }
0xbc: {  	s0 =	sadd.s32 $0x8F2B, s0  }
0xbd: {  	[sflag:s0] =	ssyncadd.remote.s32 $0x1  }
0xbe: {  	_ =	sfence.sel $0xFFFF  }
0xbf: {  	[dreg:$0x0] =	wrdreg $0xFFFFFFFF;
	(pc) =	sbr.abs _section_cstart, $3  }
0xc0: {  	[dreg:$0x1] =	wrdreg $0xFFFFFFFF  }
0xc1: {  	_ =	task.clear_ibuf [dreg:s7], $0x2FFFF;
	_ =	strace $0x9FFFFFFF  }
0xc2: {  	(tm) =	ssettm $0x7FFFFFFF  }
0xc3: {  	_ =	shalt  }
tec
execute0_lowered:
.L_overlay_start_1:
0x0: {  	(tag) =	ssettag $0x1  }
0x1: {  	s1 =	srdreg.scid  }
0x2: {  	s0 =	stileid.u32;
	s6 =	rddreg [dreg:$0x0]  }
0x3: {  	s4 =	rddreg [dreg:$0x1];
	s18 =	simm.s32 $0x880;
	s19 =	simm.s32 $0x1080  }
0x4: {  	s20 =	simm.s32 $0x1880;
	s22 =	simm.s32 $0x2080;
	s23 =	simm.s32 $0x2880  }
0x5: {  	s7 =	simm.s32 $0x3080;
	s24 =	simm.s32 $0x3880;
	s8 =	simm.s32 $0x4080  }
0x6: {  	s25 =	simm.s32 $0x4880;
	s26 =	simm.s32 $0x5080;
	s1 =	sand.u32 $0x1, s1  }
0x7: {  	s9 =	simm.s32 $0x80;
	s2 =	sshll.u32 s0, $0x7;
	s3 =	sshll.u32 s1, $0x6  }
0x8: {  	s11 =	simm.s32 $0x6080;
	s3 =	sor.u32 s3, s2;
	s2 =	simm.s32 $0x0  }
0x9: {  	s12 =	simm.s32 $0x6880;
	s13 =	simm.s32 $0x7080;
	[smem:$0x7FF] =	sst s2  }
0xa: {  	s14 =	simm.s32 $0x7880;
	_ =	strace $0x8000004A;
	[dreg:$0x5] =	wrdreg s18  }
0xb: {  	s15 =	simm.s32 $0x8080;
	s16 =	simm.s32 $0x8880;
	[dreg:$0x6] =	wrdreg s19  }
0xc: {  	s17 =	simm.s32 $0x9080;
	s28 =	simm.s32 $0xE080;
	[dreg:$0x7] =	wrdreg s20  }
0xd: {  	s29 =	simm.s32 $0xE880;
	s30 =	simm.s32 $0xF080;
	[dreg:$0x8] =	wrdreg s22  }
0xe: {  	s31 =	simm.s32 $0xF880;
	s1 =	ssub.s32 $0x2, s1;
	[dreg:$0x9] =	wrdreg s23  }
0xf: {  	s21 =	sshrl.u32 s1, $0x1;
	s5 =	sshrl.u32 s3, $0x3;
	[dreg:$0xa] =	wrdreg s7  }
0x10: {  	s3 =	sshll.u32 s3, $0x7;
	s1 =	ssub.s32 s1, s21;
	[dreg:$0xb] =	wrdreg s24  }
0x11: {  	s21 =	simm.s32 $0xB080;
	s5 =	sadd.s32 s5, s6;
	[dreg:$0xc] =	wrdreg s8  }
0x12: {  	s3 =	sadd.s32 s4, s3;
	s4 =	sadd.s32 $0x141300, s6;
	[dreg:$0xd] =	wrdreg s25  }
0x13: {  	s7 =	smax.u32 s1, $0x1;
	s8 =	simm.s32 $0x2;
	[dreg:$0xe] =	wrdreg s26  }
0x14: {  	s18 =	simm.s32 $0x9880;
	s19 =	simm.s32 $0xA080;
	s20 =	simm.s32 $0xA880  }
0x15: {  	s22 =	simm.s32 $0xB880;
	s23 =	simm.s32 $0xC080;
	s24 =	simm.s32 $0xC880  }
0x16: {  	v2 =	vlaneseq.u32;
	s25 =	simm.s32 $0xD080;
	s26 =	simm.s32 $0xD880;
	s1 =	simm.s32 $0x1  }
0x17: {  	vm0 =	vmmov $0xffff;
	v1 =	vshrl.u32 v2, $0x3;
	s5 =	sadd.s32 $0x1000, s5;
	[dreg:$0x4] =	wrdreg s3;
	s3 =	sadd.s32 $0x141200, s6  }
0x18: {  	v0 =	vand.u32 $0x7, v2;
	v2 =	vor.u32 $0x8, v2;
	v1 =	vmul.u32 $0x8, v1;
	[dreg:$0x3] =	wrdreg s5;
	s5 =	sadd.s32 $0x141400, s6;
	s6 =	sadd.s32 $0x141500, s6  }
.LBB2_1:
0x19: {  	s0 =	rddreg [dreg:$0x3]  }
0x1a: {  	[tilespmem:s2], [sflag:$0x2] =	stream.linear.gather [hbm4b:s0+s2], $0x40, $0x38;
	[tilespmem:$0x10080] =	vst v63  }
0x1b: {  	_ =	swait.ge [sflag:s8], $0x40  }
0x1c: {  	[sflag:s8] =	ssyncset.done $0x0  }
0x1d: {  	[sflag:s8] =	ssyncadd.s32 $0xFFFFFFC0  }
0x1e: {  	v3 =	vld [tilespmem:$0x0];
	_ =	sdelay $0x4  }
0x1f: {  	v4 =	vshll.u32 v3, $0x3  }
0x20: {  	v3 =	vand.u32 $0x7, v3;
	v4 =	vand.u32 $0xFFFFFFC0, v4  }
0x21: {  	v3 =	vor.u32 v3, v4  }
0x22: {  	v4 =	vperm.xlane v3, v0;
	_ =	sdelay $0x1  }
0x23: {  	v4 =	vadd.s32 v1, v4;
	_ =	sdelay $0x4  }
0x24: {  	[tilespmem:s9], [sflag:$0x1] =	stream.indirect_vreg.gather [hbm4b:s3+s2], $0x80, v4, vm0, $0xb8;
	[tilespmem:$0x10080] =	vst v63  }
0x25: {  	s0 =	rddreg [dreg:$0x5];
	v3 =	vperm.xlane v3, v2  }
0x26: {  	[tilespmem:s0], [sflag:$0x1] =	stream.indirect_vreg.gather [hbm4b:s4+s2], $0x80, v4, vm0, $0xb8;
	[tilespmem:$0x10080] =	vst v63  }
0x27: {  	s10 =	rddreg [dreg:$0x6];
	v3 =	vadd.s32 v1, v3  }
0x28: {  	[tilespmem:s10], [sflag:$0x1] =	stream.indirect_vreg.gather [hbm4b:s5+s2], $0x80, v4, vm0, $0xb8;
	[tilespmem:$0x10080] =	vst v63  }
0x29: {  	s0 =	rddreg [dreg:$0x7]  }
0x2a: {  	[tilespmem:s0], [sflag:$0x1] =	stream.indirect_vreg.gather [hbm4b:s6+s2], $0x80, v4, vm0, $0xb8;
	[tilespmem:$0x10080] =	vst v63  }
0x2b: {  	s10 =	rddreg [dreg:$0x8]  }
0x2c: {  	[tilespmem:s10], [sflag:$0x1] =	stream.indirect_vreg.gather [hbm4b:s3+s2], $0x80, v3, vm0, $0xb8;
	[tilespmem:$0x10080] =	vst v63  }
0x2d: {  	s0 =	rddreg [dreg:$0x9]  }
0x2e: {  	[tilespmem:s0], [sflag:$0x1] =	stream.indirect_vreg.gather [hbm4b:s4+s2], $0x80, v3, vm0, $0xb8;
	[tilespmem:$0x10080] =	vst v63  }
0x2f: {  	s10 =	rddreg [dreg:$0xa]  }
0x30: {  	[tilespmem:s10], [sflag:$0x1] =	stream.indirect_vreg.gather [hbm4b:s5+s2], $0x80, v3, vm0, $0xb8;
	[tilespmem:$0x10080] =	vst v63  }
0x31: {  	s0 =	rddreg [dreg:$0xb]  }
0x32: {  	[tilespmem:s0], [sflag:$0x1] =	stream.indirect_vreg.gather [hbm4b:s6+s2], $0x80, v3, vm0, $0xb8;
	[tilespmem:$0x10080] =	vst v63  }
0x33: {  	v3 =	vld [tilespmem:$0x10];
	_ =	sdelay $0x4  }
0x34: {  	v61 =	vshll.u32 v3, $0x3  }
0x35: {  	v3 =	vand.u32 $0x7, v3;
	v4 =	vand.u32 $0xFFFFFFC0, v61  }
0x36: {  	v3 =	vor.u32 v3, v4  }
0x37: {  	v4 =	vperm.xlane v3, v0;
	_ =	sdelay $0x1  }
0x38: {  	v4 =	vadd.s32 v1, v4;
	_ =	sdelay $0x3  }
0x39: {  	s0 =	rddreg [dreg:$0xc]  }
0x3a: {  	[tilespmem:s0], [sflag:$0x1] =	stream.indirect_vreg.gather [hbm4b:s3+s2], $0x80, v4, vm0, $0xb8;
	[tilespmem:$0x10080] =	vst v63  }
0x3b: {  	s10 =	rddreg [dreg:$0xd];
	v3 =	vperm.xlane v3, v2  }
0x3c: {  	[tilespmem:s10], [sflag:$0x1] =	stream.indirect_vreg.gather [hbm4b:s4+s2], $0x80, v4, vm0, $0xb8;
	[tilespmem:$0x10080] =	vst v63  }
0x3d: {  	v3 =	vadd.s32 v1, v3;
	s0 =	rddreg [dreg:$0xe]  }
0x3e: {  	[tilespmem:s0], [sflag:$0x1] =	stream.indirect_vreg.gather [hbm4b:s5+s2], $0x80, v4, vm0, $0xb8;
	[tilespmem:$0x10080] =	vst v63  }
0x3f: {  	s10 =	simm.s32 $0x5880  }
0x40: {  	[tilespmem:s10], [sflag:$0x1] =	stream.indirect_vreg.gather [hbm4b:s6+s2], $0x80, v4, vm0, $0xb8;
	[tilespmem:$0x10080] =	vst v63  }
0x41: {  	_ = 	snop  }
0x42: {  	[tilespmem:s11], [sflag:$0x1] =	stream.indirect_vreg.gather [hbm4b:s3+s2], $0x80, v3, vm0, $0xb8;
	[tilespmem:$0x10080] =	vst v63  }
0x43: {  	_ = 	snop  }
0x44: {  	[tilespmem:s12], [sflag:$0x1] =	stream.indirect_vreg.gather [hbm4b:s4+s2], $0x80, v3, vm0, $0xb8;
	[tilespmem:$0x10080] =	vst v63  }
0x45: {  	_ = 	snop  }
0x46: {  	[tilespmem:s13], [sflag:$0x1] =	stream.indirect_vreg.gather [hbm4b:s5+s2], $0x80, v3, vm0, $0xb8;
	[tilespmem:$0x10080] =	vst v63  }
0x47: {  	_ = 	snop  }
0x48: {  	[tilespmem:s14], [sflag:$0x1] =	stream.indirect_vreg.gather [hbm4b:s6+s2], $0x80, v3, vm0, $0xb8;
	[tilespmem:$0x10080] =	vst v63  }
0x49: {  	v3 =	vld [tilespmem:$0x20];
	_ =	sdelay $0x4  }
0x4a: {  	v62 =	vshll.u32 v3, $0x3  }
0x4b: {  	v3 =	vand.u32 $0x7, v3;
	v4 =	vand.u32 $0xFFFFFFC0, v62  }
0x4c: {  	v3 =	vor.u32 v3, v4  }
0x4d: {  	v4 =	vperm.xlane v3, v0;
	_ =	sdelay $0x1  }
0x4e: {  	v4 =	vadd.s32 v1, v4;
	_ =	sdelay $0x4  }
0x4f: {  	[tilespmem:s15], [sflag:$0x1] =	stream.indirect_vreg.gather [hbm4b:s3+s2], $0x80, v4, vm0, $0xb8;
	[tilespmem:$0x10080] =	vst v63  }
0x50: {  	v3 =	vperm.xlane v3, v2  }
0x51: {  	[tilespmem:s16], [sflag:$0x1] =	stream.indirect_vreg.gather [hbm4b:s4+s2], $0x80, v4, vm0, $0xb8;
	[tilespmem:$0x10080] =	vst v63  }
0x52: {  	v3 =	vadd.s32 v1, v3  }
0x53: {  	[tilespmem:s17], [sflag:$0x1] =	stream.indirect_vreg.gather [hbm4b:s5+s2], $0x80, v4, vm0, $0xb8;
	[tilespmem:$0x10080] =	vst v63  }
0x54: {  	_ = 	snop  }
0x55: {  	[tilespmem:s18], [sflag:$0x1] =	stream.indirect_vreg.gather [hbm4b:s6+s2], $0x80, v4, vm0, $0xb8;
	[tilespmem:$0x10080] =	vst v63  }
0x56: {  	_ = 	snop  }
0x57: {  	[tilespmem:s19], [sflag:$0x1] =	stream.indirect_vreg.gather [hbm4b:s3+s2], $0x80, v3, vm0, $0xb8;
	[tilespmem:$0x10080] =	vst v63  }
0x58: {  	_ = 	snop  }
0x59: {  	[tilespmem:s20], [sflag:$0x1] =	stream.indirect_vreg.gather [hbm4b:s4+s2], $0x80, v3, vm0, $0xb8;
	[tilespmem:$0x10080] =	vst v63  }
0x5a: {  	_ = 	snop  }
0x5b: {  	[tilespmem:s21], [sflag:$0x1] =	stream.indirect_vreg.gather [hbm4b:s5+s2], $0x80, v3, vm0, $0xb8;
	[tilespmem:$0x10080] =	vst v63  }
0x5c: {  	_ = 	snop  }
0x5d: {  	[tilespmem:s22], [sflag:$0x1] =	stream.indirect_vreg.gather [hbm4b:s6+s2], $0x80, v3, vm0, $0xb8;
	[tilespmem:$0x10080] =	vst v63  }
0x5e: {  	v3 =	vld [tilespmem:$0x30];
	_ =	sdelay $0x4  }
0x5f: {  	v63 =	vshll.u32 v3, $0x3  }
0x60: {  	v3 =	vand.u32 $0x7, v3;
	v4 =	vand.u32 $0xFFFFFFC0, v63  }
0x61: {  	v3 =	vor.u32 v3, v4  }
0x62: {  	v4 =	vperm.xlane v3, v0;
	_ =	sdelay $0x1  }
0x63: {  	v4 =	vadd.s32 v1, v4;
	_ =	sdelay $0x4  }
0x64: {  	[tilespmem:s23], [sflag:$0x1] =	stream.indirect_vreg.gather [hbm4b:s3+s2], $0x80, v4, vm0, $0xb8;
	[tilespmem:$0x10080] =	vst v63  }
0x65: {  	v3 =	vperm.xlane v3, v2  }
0x66: {  	[tilespmem:s24], [sflag:$0x1] =	stream.indirect_vreg.gather [hbm4b:s4+s2], $0x80, v4, vm0, $0xb8;
	[tilespmem:$0x10080] =	vst v63  }
0x67: {  	v3 =	vadd.s32 v1, v3  }
0x68: {  	[tilespmem:s25], [sflag:$0x1] =	stream.indirect_vreg.gather [hbm4b:s5+s2], $0x80, v4, vm0, $0xb8;
	[tilespmem:$0x10080] =	vst v63  }
0x69: {  	_ = 	snop  }
0x6a: {  	[tilespmem:s26], [sflag:$0x1] =	stream.indirect_vreg.gather [hbm4b:s6+s2], $0x80, v4, vm0, $0xb8;
	[tilespmem:$0x10080] =	vst v63  }
0x6b: {  	_ = 	snop  }
0x6c: {  	[tilespmem:s28], [sflag:$0x1] =	stream.indirect_vreg.gather [hbm4b:s3+s2], $0x80, v3, vm0, $0xb8;
	[tilespmem:$0x10080] =	vst v63  }
0x6d: {  	_ = 	snop  }
0x6e: {  	[tilespmem:s29], [sflag:$0x1] =	stream.indirect_vreg.gather [hbm4b:s4+s2], $0x80, v3, vm0, $0xb8;
	[tilespmem:$0x10080] =	vst v63  }
0x6f: {  	_ = 	snop  }
0x70: {  	[tilespmem:s30], [sflag:$0x1] =	stream.indirect_vreg.gather [hbm4b:s5+s2], $0x80, v3, vm0, $0xb8;
	[tilespmem:$0x10080] =	vst v63  }
0x71: {  	_ = 	snop  }
0x72: {  	[tilespmem:s31], [sflag:$0x1] =	stream.indirect_vreg.gather [hbm4b:s6+s2], $0x80, v3, vm0, $0xb8;
	[tilespmem:$0x10080] =	vst v63  }
0x73: {  	_ =	swait.ge [sflag:s1], $0x10000  }
0x74: {  	p0 =	sne.s32 s7, $0x1;
	[sflag:s1] =	ssyncset.done $0x0  }
.Ltmp0:
0x75: {  	s10 =	rddreg [dreg:$0x4];
	[sflag:s1] =	ssyncadd.s32 $0xFFFF0000;
	(pc) =	sbr.rel @p0 .LBB2_1-.Ltmp0, $4  }
0x76: {  	[hbm4b:s10+s2] =	stream.linear.scatter [tilespmem:s9], [sflag:$0x2], $0x10000, $0x38;
	[tilespmem:$0x10080] =	vst v63  }
0x77: {  	_ =	swait.ge [sflag:s8], $0x10000  }
0x78: {  	[sflag:s8] =	ssyncset.done $0x0  }
0x79: {  	s7 =	sadd.s32 $0xFFFFFFFF, s7;
	[sflag:s8] =	ssyncadd.s32 $0xFFFF0000  }
0x7a: {  	_ =	sfence.sel $0x180000  }
0x7b: {  	[bflag:$0x0] =	sbarrier.arrive $0xFFFF  }
0x7c: {  	_ =	strace $0x9000004A  }
0x7d: {  	s0 =	stileid.u32;
	[bflag:$0x2] =	sbarrier.arrive $0xFFFF  }
0x7e: {  	p0 =	sne.s32 s0, $0x0;
	s0 =	rddreg [dreg:$0x2]  }
0x7f: {  	s0 =	sadd.s32 @!p0 $0x100000, s0  }
0x80: {  	[sflag:s0] =	ssyncadd.tile.s32 @!p0 $0x1;
	_ =	shalt  }
.Lfunc_end2:
_tile_overlayer_lowered:
.L_overlay_start_2:
0x81: {  	(tag) =	ssettag $0x2  }
0x82: {  	s0 =	rddreg [dreg:$0x0];
	s2 =	stileid.u32  }
0x83: {  	s1 =	rddreg [dreg:$0x1];
	p0 =	sne.s32 s2, $0x0  }
0x84: {  	s3 =	rddreg [dreg:$0x2];
	[bflag:$0x3] =	sbarrier.arrive $0xFFFF;
	s2 =	simm.s32 @!p0 $0x1C02  }
0x85: {  	[timem:s3], [sflag:s2] =	dma.local @!p0 [hbm:s0], s1  }
0x86: {  	s0 =	simm.s32 @!p0 $0x2  }
0x87: {  	_ =	swait.ge @!p0 [sflag:s0], s1  }
0x88: {  	s1 =	ssub.s32 @!p0 $0x0, s1;
	[sflag:s0] =	ssyncset.done @!p0 $0x0  }
0x89: {  	[sflag:s0] =	ssyncadd.s32 @!p0 s1  }
0x8a: {  	[bflag:$0x3] =	sbarrier.arrive $0xFFFF  }
0x8b: {  	_ =	shalt  }

</sc_bundles>
